<compile_context>
chip_gen: v7x
topology: tpu7x:2x2x1
jax: 0.10.2.dev20260603
libtpu: 0.0.44.dev20260713+nightly
codegen_flags: <defaults>
</compile_context>

<pallas_src>
import jax
import jax.numpy as jnp
from jax import lax
from jax.experimental import pallas as pl
from jax.experimental.pallas import tpu as pltpu
from jax.experimental.pallas import tpu_sc as plsc

IGNORE = 255
C = 19
K = 2048
SENT = 2 * K
S = 2 * K + 17
HIST_WORDS = 16 * S

T = 65536
HW = 512 * 512
B = 4
WPB = HW // 2
CHUNK = 16384
NCHUNK = B * WPB // CHUNK
CPB = WPB // CHUNK


def _binize_body(lref, tref, oref):
    x = lref[0]
    ex = jnp.exp(x)
    p = ex / jnp.sum(ex, axis=0, keepdims=True)
    lbl = tref[0]
    valid = lbl != IGNORE
    cls = lax.broadcasted_iota(jnp.int32, (C, T), 0)
    fg = (cls == lbl) & valid
    e = jnp.where(fg, 1.0 - p, p)
    q = jnp.minimum((e * K).astype(jnp.int32), K - 1)
    comb = (K - 1 - q) + jnp.where(fg, K, 0)
    comb = jnp.where(valid, comb, SENT)
    w = comb[:, : T // 2] | (comb[:, T // 2 :] << 16)
    oref[0] = w


def _sc_hist_body(words, out, hist, stage, nf_v, nn_v, vec_v, sem0, sem1):
    wid = lax.axis_index("s") * 2 + lax.axis_index("c")

    @pl.when(wid < C)
    def _():
        iota = lax.broadcasted_iota(jnp.int32, (16,), 0)
        laneoff = iota * S
        ones = jnp.full((16,), 1, jnp.int32)
        zeros = jnp.zeros((16,), jnp.int32)

        @plsc.parallel_loop(0, HIST_WORDS // 16, step=1, unroll=8)
        def _(i):
            hist[pl.ds(i * 16, 16)] = zeros

        def chunk_src(ch):
            b = ch // CPB
            j = ch - b * CPB
            return words.at[b, wid, pl.ds(pl.multiple_of(j * CHUNK, 8),
                                          CHUNK)]

        pltpu.async_copy(chunk_src(0), stage.at[0], sem0)
        pltpu.async_copy(chunk_src(1), stage.at[1], sem1)

        def proc_chunk(slot):
            @plsc.parallel_loop(0, CHUNK // 16, step=1, unroll=16)
            def _(g):
                w = stage[slot, pl.ds(g * 16, 16)]
                lo = (w & 0xFFFF) + laneoff
                hi = (w >> 16) + laneoff
                plsc.addupdate_scatter(hist, [lo], ones)
                plsc.addupdate_scatter(hist, [hi], ones)

        def pair_body(pr, _):
            ch0 = pr * 2
            for slot, sem in ((0, sem0), (1, sem1)):
                ch = ch0 + slot
                pltpu.make_async_copy(chunk_src(ch), stage.at[slot],
                                      sem).wait()
                proc_chunk(slot)

                @pl.when(ch + 2 < NCHUNK)
                def _():
                    pltpu.async_copy(chunk_src(ch + 2), stage.at[slot], sem)
            return 0

        lax.fori_loop(0, NCHUNK // 2, pair_body, 0)

        @plsc.parallel_loop(0, K // 16, step=1, unroll=2, carry=zeros)
        def accP(g, acc):
            base = g * 16
            accf = zeros
            accb = zeros
            for l in range(16):
                accf = accf + hist[pl.ds(l * S + K + base, 16)]
                accb = accb + hist[pl.ds(l * S + base, 16)]
            nf_v[pl.ds(base, 16)] = accf
            nn_v[pl.ds(base, 16)] = accf + accb
            return acc + accf
        P = jnp.sum(accP)
        Pf = P.astype(jnp.float32)

        def scan_body(g, carry):
            cF, cN, accJ = carry
            nf = nf_v[pl.ds(g * 16, 16)]
            nn = nn_v[pl.ds(g * 16, 16)]
            F = (plsc.cumsum(nf) + cF).astype(jnp.float32)
            N = (plsc.cumsum(nn) + cN).astype(jnp.float32)
            denom = jnp.maximum(Pf + N - F, 1.0)
            J = 1.0 - (Pf - F) / denom
            return (cF + jnp.sum(nf), cN + jnp.sum(nn), accJ + J)

        _, _, accJ = lax.fori_loop(
            0, K // 16, scan_body,
            (jnp.int32(0), jnp.int32(0), jnp.zeros((16,), jnp.float32)))
        sumJ = jnp.sum(accJ)
        loss_c = (sumJ - 0.5) * (1.0 / K)
        pres = (P > 0).astype(jnp.float32)
        num = loss_c * pres
        vec_v[...] = jnp.where(iota == 0, num,
                               jnp.where(iota == 1, pres, 0.0))
        pltpu.sync_copy(vec_v, out.at[wid])


def _finalize_body(rref, oref):
    x = rref[...]
    li = lax.broadcasted_iota(jnp.int32, (C, 16), 1)
    num = jnp.sum(jnp.where(li == 0, x, 0.0))
    den = jnp.sum(jnp.where(li == 1, x, 0.0))
    oref[...] = jnp.full((8, 128), num / jnp.maximum(den, 1.0), jnp.float32)


def kernel(output, target):
    logits = output.reshape(B, C, HW)
    tgt = target.astype(jnp.int32).reshape(B, 1, HW)

    words = pl.pallas_call(
        _binize_body,
        grid=(B, HW // T),
        in_specs=[
            pl.BlockSpec((1, C, T), lambda b, t: (b, 0, t)),
            pl.BlockSpec((1, 1, T), lambda b, t: (b, 0, t)),
        ],
        out_specs=pl.BlockSpec((1, C, T // 2), lambda b, t: (b, 0, t)),
        out_shape=jax.ShapeDtypeStruct((B, C, WPB), jnp.int32),
    )(logits, tgt)

    mesh = plsc.VectorSubcoreMesh(
        core_axis_name="c", subcore_axis_name="s", num_cores=2,
        num_subcores=16)
    sc_hist = pl.kernel(
        _sc_hist_body,
        out_type=jax.ShapeDtypeStruct((C, 16), jnp.float32),
        mesh=mesh,
        compiler_params=pltpu.CompilerParams(needs_layout_passes=False),
        scratch_types=[
            pltpu.VMEM((HIST_WORDS,), jnp.int32),
            pltpu.VMEM((2, CHUNK), jnp.int32),
            pltpu.VMEM((K,), jnp.int32),
            pltpu.VMEM((K,), jnp.int32),
            pltpu.VMEM((16,), jnp.float32),
            pltpu.SemaphoreType.DMA,
            pltpu.SemaphoreType.DMA,
        ],
    )
    rows = sc_hist(words)

    res = pl.pallas_call(
        _finalize_body,
        out_shape=jax.ShapeDtypeStruct((8, 128), jnp.float32),
    )(rows)
    return res[0, 0]

# --- scband reference (transcript-rebuilt; emitter-appended) ---
"""Pipeline reference for scband-lovasz-softmax-6614249636068 (READ-ONLY COPY).

The authoritative reference and input builder live on the scoring server;
editing this copy changes nothing except your own understanding.
"""

import jax, jax.numpy as jnp
import numpy as np

IGNORE_INDEX = 255


def lovasz_grad(gt_sorted):
    gts = jnp.sum(gt_sorted)
    intersection = gts - jnp.cumsum(gt_sorted)
    union = gts + jnp.cumsum(1.0 - gt_sorted)
    jaccard = 1.0 - intersection / union
    jaccard = jnp.concatenate([jaccard[:1], jaccard[1:] - jaccard[:-1]])
    return jaccard


def lovasz_softmax_flat(probas, labels, valid):
    C = probas.shape[1]
    losses = []
    present = []
    validf = valid.astype(jnp.float32)
    for c in range(C):
        fg = jnp.where(valid, (labels == c).astype(jnp.float32), 0.0)
        fg_sum = jnp.sum(fg)
        errors = jnp.abs(fg - probas[:, c])
        # push ignored pixels to the end of the descending sort (errors in [0,1])
        errors_key = jnp.where(valid, errors, -1.0)
        perm = jnp.argsort(-errors_key)
        errors_sorted = errors[perm]
        fg_sorted = fg[perm]
        valid_sorted = validf[perm]
        loss_c = jnp.dot(errors_sorted * valid_sorted, lovasz_grad(fg_sorted))
        is_present = (fg_sum > 0).astype(jnp.float32)
        losses.append(loss_c * is_present)
        present.append(is_present)
    losses = jnp.stack(losses)
    present = jnp.stack(present)
    # classes='present': mean over classes present in the (valid) labels
    return jnp.sum(losses) / jnp.maximum(jnp.sum(present), 1.0)


def setup_inputs(seed: int = 0) -> dict:
    key = jax.random.key(seed)
    k1, k2 = jax.random.split(key)
    output = jax.random.normal(k1, (4, 19, 512, 512), dtype=jnp.float32)
    target = jax.random.randint(k2, (4, 512, 512), 0, 19).astype(jnp.int64)
    return {"output": output, "target": target}


def reference(output, target):
    probas = jax.nn.softmax(output, axis=1)
    B, C, H, W = probas.shape
    probas_flat = jnp.transpose(probas, (0, 2, 3, 1)).reshape(-1, C)
    labels_flat = target.reshape(-1)
    valid = labels_flat != IGNORE_INDEX
    return lovasz_softmax_flat(probas_flat, labels_flat, valid)

if __name__ == "__main__":
    import jax
    _d = setup_inputs()
    print(jax.jit(kernel)(*tuple(_d.values())))

</pallas_src>

<mosaic_0001>
#map = affine_map<(d0, d1) -> (0, 0, 0)>
#map1 = affine_map<(d0, d1) -> (0, 0)>
module attributes {stable_mosaic.version = 14 : i64} {
  func.func @_sc_hist_body(%arg0: i32, %arg1: i32, %arg2: memref<4x19x131072xi32, #tpu.memory_space<hbm>>, %arg3: memref<19x16xf32, #tpu.memory_space<hbm>>, %arg4: memref<65808xi32, #tpu.memory_space<vmem>>, %arg5: memref<2x16384xi32, #tpu.memory_space<vmem>>, %arg6: memref<2048xi32, #tpu.memory_space<vmem>>, %arg7: memref<2048xi32, #tpu.memory_space<vmem>>, %arg8: memref<16xf32, #tpu.memory_space<vmem>>, %arg9: memref<!tpu.dma_semaphore, #tpu.memory_space<semaphore_mem>>, %arg10: memref<!tpu.dma_semaphore, #tpu.memory_space<semaphore_mem>>) attributes {dimension_semantics = [#tpu.dimension_semantics<core_parallel>, #tpu.dimension_semantics<subcore_parallel>], iteration_bounds = array<i64: 2, 16>, scalar_prefetch = 0 : i64, scratch_operands = 7 : i64, tpu.core_type = #tpu.core_type<sc_vector_subcore>, window_params = [{transform_indices = #map}, {transform_indices = #map1}]} {
    %mul3A = arith.constant 2 : i32
    %mul3A_0 = arith.muli %arg1, %mul3A : i32
    %add3A = arith.addi %mul3A_0, %arg0 : i32
    %lt3A = arith.constant 19 : i32
    %lt3A_1 = arith.cmpi slt, %add3A, %lt3A : i32
    %convert_element_type3A = arith.extui %lt3A_1 : i1 to i32
    %cond3A = arith.constant 0 : i32
    %cond3A_2 = arith.cmpi ne, %convert_element_type3A, %cond3A : i32
    scf.if %cond3A_2 {
      %iota3A = tpu.iota {dimensions = array<i32: 0>} : vector<16xi32>
      %mul3A_3 = arith.constant 4113 : i32
      %mul3A_4 = vector.broadcast %mul3A_3 : i32 to vector<16xi32>
      %mul3A_5 = arith.muli %iota3A, %mul3A_4 : vector<16xi32>
      %broadcast_in_dim3A = arith.constant 1 : i32
      %broadcast_in_dim3A_6 = vector.broadcast %broadcast_in_dim3A : i32 to vector<16xi32>
      %broadcast_in_dim3A_7 = arith.constant 0 : i32
      %broadcast_in_dim3A_8 = vector.broadcast %broadcast_in_dim3A_7 : i32 to vector<16xi32>
      %parallel_loop3A = arith.constant 0 : i32
      %parallel_loop3A_9 = arith.constant 4113 : i32
      %parallel_loop3A_10 = arith.constant 1 : i32
      scf.for %parallel_loop3A_82 = %parallel_loop3A to %parallel_loop3A_9 step %parallel_loop3A_10  : i32 {
        %parallel_loop3A_83 = arith.constant 16 : i32
        %parallel_loop3A_84 = arith.muli %parallel_loop3A_82, %parallel_loop3A_83 : i32
        %parallel_loop3A_85 = arith.index_cast %parallel_loop3A_84 : i32 to index
        %parallel_loop3A_86 = tpu.vector_load %arg4[%parallel_loop3A_85] {strides = array<i32>} : memref<65808xi32, #tpu.memory_space<vmem>>, vector<16xi32>,
        tpu.vector_store %arg4[%parallel_loop3A_85], %broadcast_in_dim3A_8 {strides = array<i32>} : memref<65808xi32, #tpu.memory_space<vmem>>, vector<16xi32>,
      } {sc.loop_unroll_factor = 8 : i64, sc.parallel_access}
      %multiple_of3A = arith.constant 0 : i32
      %multiple_of3A_11 = tpu.assume_multiple %multiple_of3A, 8 : i32
      %dma_start3A = arith.constant 0 : i32
      %dma_start3A_12 = arith.constant 0 : i32
      %dma_start3A_13 = arith.constant 0 : i32
      %dma_start3A_14 = tpu.memref_slice %arg5[%dma_start3A_12, %dma_start3A_13] : memref<2x16384xi32, #tpu.memory_space<vmem>> -> memref<1x16384xi32, #tpu.memory_space<vmem>>
      %dma_start3A_15 = tpu.memref_squeeze %dma_start3A_14 : memref<1x16384xi32, #tpu.memory_space<vmem>> -> memref<16384xi32, #tpu.memory_space<vmem>>
      %dma_start3A_16 = tpu.memref_slice %arg2[%dma_start3A, %add3A, %multiple_of3A_11] : memref<4x19x131072xi32, #tpu.memory_space<hbm>> -> memref<1x1x16384xi32, #tpu.memory_space<hbm>>
      %dma_start3A_17 = tpu.memref_squeeze %dma_start3A_16 : memref<1x1x16384xi32, #tpu.memory_space<hbm>> -> memref<16384xi32, #tpu.memory_space<hbm>>
      %dma_start3A_18 = arith.constant 0 : i32
      %dma_start3A_19 = tpu.memref_slice %arg5[%dma_start3A_12, %dma_start3A_18] : memref<2x16384xi32, #tpu.memory_space<vmem>> -> memref<1x16384xi32, #tpu.memory_space<vmem>>
      %dma_start3A_20 = tpu.memref_squeeze %dma_start3A_19 : memref<1x16384xi32, #tpu.memory_space<vmem>> -> memref<16384xi32, #tpu.memory_space<vmem>>
      %dma_start3A_21 = tpu.memref_slice %arg2[%dma_start3A, %add3A, %multiple_of3A_11] : memref<4x19x131072xi32, #tpu.memory_space<hbm>> -> memref<1x1x16384xi32, #tpu.memory_space<hbm>>
      %dma_start3A_22 = tpu.memref_squeeze %dma_start3A_21 : memref<1x1x16384xi32, #tpu.memory_space<hbm>> -> memref<16384xi32, #tpu.memory_space<hbm>>
      tpu.enqueue_dma source(%dma_start3A_22 : memref<16384xi32, #tpu.memory_space<hbm>>) target(%dma_start3A_20 : memref<16384xi32, #tpu.memory_space<vmem>>) target_semaphore(%arg9 : memref<!tpu.dma_semaphore, #tpu.memory_space<semaphore_mem>>)
      %multiple_of3A_23 = arith.constant 16384 : i32
      %multiple_of3A_24 = tpu.assume_multiple %multiple_of3A_23, 8 : i32
      %dma_start3A_25 = arith.constant 0 : i32
      %dma_start3A_26 = arith.constant 1 : i32
      %dma_start3A_27 = arith.constant 0 : i32
      %dma_start3A_28 = tpu.memref_slice %arg5[%dma_start3A_26, %dma_start3A_27] : memref<2x16384xi32, #tpu.memory_space<vmem>> -> memref<1x16384xi32, #tpu.memory_space<vmem>>
      %dma_start3A_29 = tpu.memref_squeeze %dma_start3A_28 : memref<1x16384xi32, #tpu.memory_space<vmem>> -> memref<16384xi32, #tpu.memory_space<vmem>>
      %dma_start3A_30 = tpu.memref_slice %arg2[%dma_start3A_25, %add3A, %multiple_of3A_24] : memref<4x19x131072xi32, #tpu.memory_space<hbm>> -> memref<1x1x16384xi32, #tpu.memory_space<hbm>>
      %dma_start3A_31 = tpu.memref_squeeze %dma_start3A_30 : memref<1x1x16384xi32, #tpu.memory_space<hbm>> -> memref<16384xi32, #tpu.memory_space<hbm>>
      %dma_start3A_32 = arith.constant 0 : i32
      %dma_start3A_33 = tpu.memref_slice %arg5[%dma_start3A_26, %dma_start3A_32] : memref<2x16384xi32, #tpu.memory_space<vmem>> -> memref<1x16384xi32, #tpu.memory_space<vmem>>
      %dma_start3A_34 = tpu.memref_squeeze %dma_start3A_33 : memref<1x16384xi32, #tpu.memory_space<vmem>> -> memref<16384xi32, #tpu.memory_space<vmem>>
      %dma_start3A_35 = tpu.memref_slice %arg2[%dma_start3A_25, %add3A, %multiple_of3A_24] : memref<4x19x131072xi32, #tpu.memory_space<hbm>> -> memref<1x1x16384xi32, #tpu.memory_space<hbm>>
      %dma_start3A_36 = tpu.memref_squeeze %dma_start3A_35 : memref<1x1x16384xi32, #tpu.memory_space<hbm>> -> memref<16384xi32, #tpu.memory_space<hbm>>
      tpu.enqueue_dma source(%dma_start3A_36 : memref<16384xi32, #tpu.memory_space<hbm>>) target(%dma_start3A_34 : memref<16384xi32, #tpu.memory_space<vmem>>) target_semaphore(%arg10 : memref<!tpu.dma_semaphore, #tpu.memory_space<semaphore_mem>>)
      %scan3A = arith.constant 0 : i32
      %scan3A_37 = arith.constant 0 : i32
      %scan3A_38 = arith.constant 16 : i32
      %scan3A_39 = arith.addi %scan3A_37, %scan3A_38 : i32
      %scan3A_40 = arith.constant 1 : i32
      %scan3A_41 = scf.for %scan3A_82 = %scan3A_37 to %scan3A_39 step %scan3A_40 iter_args(%scan3A_83 = %scan3A) -> (i32)  : i32 {
        %mul3A_84 = arith.constant 2 : i32
        %mul3A_85 = arith.muli %scan3A_82, %mul3A_84 : i32
        %add3A_86 = arith.constant 0 : i32
        %add3A_87 = arith.addi %mul3A_85, %add3A_86 : i32
        %jit3A_88 = arith.constant 8 : i32
        %div3A = arith.divsi %add3A_87, %jit3A_88 : i32
        %sign3A = arith.constant 0 : i32
        %sign3A_89 = arith.cmpi sgt, %add3A_87, %sign3A : i32
        %sign3A_90 = arith.extui %sign3A_89 : i1 to i32
        %sign3A_91 = arith.constant 0 : i32
        %sign3A_92 = arith.cmpi slt, %add3A_87, %sign3A_91 : i32
        %sign3A_93 = arith.extui %sign3A_92 : i1 to i32
        %sign3A_94 = arith.subi %sign3A_90, %sign3A_93 : i32
        %sign3A_95 = arith.constant 0 : i32
        %sign3A_96 = arith.cmpi sgt, %jit3A_88, %sign3A_95 : i32
        %sign3A_97 = arith.extui %sign3A_96 : i1 to i32
        %sign3A_98 = arith.constant 0 : i32
        %sign3A_99 = arith.cmpi slt, %jit3A_88, %sign3A_98 : i32
        %sign3A_100 = arith.extui %sign3A_99 : i1 to i32
        %sign3A_101 = arith.subi %sign3A_97, %sign3A_100 : i32
        %ne3A = arith.cmpi ne, %sign3A_94, %sign3A_101 : i32
        %rem3A = arith.remsi %add3A_87, %jit3A_88 : i32
        %ne3A_102 = arith.constant 0 : i32
        %ne3A_103 = arith.cmpi ne, %rem3A, %ne3A_102 : i32
        %and3A = arith.andi %ne3A, %ne3A_103 : i1
        %sub3A_104 = arith.constant 1 : i32
        %sub3A_105 = arith.subi %div3A, %sub3A_104 : i32
        %select_n3A_106 = arith.select %and3A, %sub3A_105, %div3A : i32
        %mul3A_107 = arith.constant 8 : i32
        %mul3A_108 = arith.muli %select_n3A_106, %mul3A_107 : i32
        %sub3A_109 = arith.subi %add3A_87, %mul3A_108 : i32
        %mul3A_110 = arith.constant 16384 : i32
        %mul3A_111 = arith.muli %sub3A_109, %mul3A_110 : i32
        %multiple_of3A_112 = tpu.assume_multiple %mul3A_111, 8 : i32
        %dma_wait3A = arith.constant 0 : i32
        %dma_wait3A_113 = arith.constant 0 : i32
        %dma_wait3A_114 = tpu.memref_slice %arg5[%dma_wait3A, %dma_wait3A_113] : memref<2x16384xi32, #tpu.memory_space<vmem>> -> memref<1x16384xi32, #tpu.memory_space<vmem>>
        %dma_wait3A_115 = tpu.memref_squeeze %dma_wait3A_114 : memref<1x16384xi32, #tpu.memory_space<vmem>> -> memref<16384xi32, #tpu.memory_space<vmem>>
        %dma_wait3A_116 = tpu.memref_slice %arg2[%select_n3A_106, %add3A, %multiple_of3A_112] : memref<4x19x131072xi32, #tpu.memory_space<hbm>> -> memref<1x1x16384xi32, #tpu.memory_space<hbm>>
        %dma_wait3A_117 = tpu.memref_squeeze %dma_wait3A_116 : memref<1x1x16384xi32, #tpu.memory_space<hbm>> -> memref<16384xi32, #tpu.memory_space<hbm>>
        %dma_wait3A_118 = arith.constant 0 : i32
        %dma_wait3A_119 = tpu.memref_slice %arg5[%dma_wait3A, %dma_wait3A_118] : memref<2x16384xi32, #tpu.memory_space<vmem>> -> memref<1x16384xi32, #tpu.memory_space<vmem>>
        %dma_wait3A_120 = tpu.memref_squeeze %dma_wait3A_119 : memref<1x16384xi32, #tpu.memory_space<vmem>> -> memref<16384xi32, #tpu.memory_space<vmem>>
        %dma_wait3A_121 = tpu.memref_slice %arg2[%select_n3A_106, %add3A, %multiple_of3A_112] : memref<4x19x131072xi32, #tpu.memory_space<hbm>> -> memref<1x1x16384xi32, #tpu.memory_space<hbm>>
        %dma_wait3A_122 = tpu.memref_squeeze %dma_wait3A_121 : memref<1x1x16384xi32, #tpu.memory_space<hbm>> -> memref<16384xi32, #tpu.memory_space<hbm>>
        tpu.wait_dma2 semaphore(%arg9 : memref<!tpu.dma_semaphore, #tpu.memory_space<semaphore_mem>>) src(%dma_wait3A_122 : memref<16384xi32, #tpu.memory_space<hbm>>) dst(%dma_wait3A_120 : memref<16384xi32, #tpu.memory_space<vmem>>)
        %parallel_loop3A_123 = arith.constant 0 : i32
        %parallel_loop3A_124 = arith.constant 1024 : i32
        %parallel_loop3A_125 = arith.constant 1 : i32
        scf.for %parallel_loop3A_187 = %parallel_loop3A_123 to %parallel_loop3A_124 step %parallel_loop3A_125  : i32 {
          %parallel_loop3A_188 = arith.constant 16 : i32
          %parallel_loop3A_189 = arith.muli %parallel_loop3A_187, %parallel_loop3A_188 : i32
          %parallel_loop3A_190 = arith.constant 0 : i32
          %parallel_loop3A_191 = arith.index_cast %parallel_loop3A_190 : i32 to index
          %parallel_loop3A_192 = arith.index_cast %parallel_loop3A_189 : i32 to index
          %parallel_loop3A_193 = tpu.vector_load %arg5[%parallel_loop3A_191, %parallel_loop3A_192] {strides = array<i32>} : memref<2x16384xi32, #tpu.memory_space<vmem>>, vector<16xi32>,
          %parallel_loop3A_194 = arith.constant 65535 : i32
          %parallel_loop3A_195 = vector.broadcast %parallel_loop3A_194 : i32 to vector<16xi32>
          %parallel_loop3A_196 = arith.andi %parallel_loop3A_193, %parallel_loop3A_195 : vector<16xi32>
          %parallel_loop3A_197 = arith.addi %parallel_loop3A_196, %mul3A_5 : vector<16xi32>
          %parallel_loop3A_198 = arith.constant 16 : i32
          %parallel_loop3A_199 = vector.broadcast %parallel_loop3A_198 : i32 to vector<16xi32>
          %parallel_loop3A_200 = arith.shrsi %parallel_loop3A_193, %parallel_loop3A_199 : vector<16xi32>
          %parallel_loop3A_201 = arith.addi %parallel_loop3A_200, %mul3A_5 : vector<16xi32>
          tpu.vector_store_idx %arg4[%parallel_loop3A_197], %broadcast_in_dim3A_6 {add = true} : memref<65808xi32, #tpu.memory_space<vmem>>[vector<16xi32>], vector<16xi32>,
          tpu.vector_store_idx %arg4[%parallel_loop3A_201], %broadcast_in_dim3A_6 {add = true} : memref<65808xi32, #tpu.memory_space<vmem>>[vector<16xi32>], vector<16xi32>,
        } {sc.loop_unroll_factor = 16 : i64, sc.parallel_access}
        %add3A_126 = arith.constant 2 : i32
        %add3A_127 = arith.addi %add3A_87, %add3A_126 : i32
        %lt3A_128 = arith.constant 32 : i32
        %lt3A_129 = arith.cmpi slt, %add3A_127, %lt3A_128 : i32
        %convert_element_type3A_130 = arith.extui %lt3A_129 : i1 to i32
        %cond3A_131 = arith.constant 0 : i32
        %cond3A_132 = arith.cmpi ne, %convert_element_type3A_130, %cond3A_131 : i32
        scf.if %cond3A_132 {
          %add3A_187 = arith.constant 2 : i32
          %add3A_188 = arith.addi %add3A_87, %add3A_187 : i32
          %jit3A_189 = arith.constant 8 : i32
          %div3A_190 = arith.divsi %add3A_188, %jit3A_189 : i32
          %sign3A_191 = arith.constant 0 : i32
          %sign3A_192 = arith.cmpi sgt, %add3A_188, %sign3A_191 : i32
          %sign3A_193 = arith.extui %sign3A_192 : i1 to i32
          %sign3A_194 = arith.constant 0 : i32
          %sign3A_195 = arith.cmpi slt, %add3A_188, %sign3A_194 : i32
          %sign3A_196 = arith.extui %sign3A_195 : i1 to i32
          %sign3A_197 = arith.subi %sign3A_193, %sign3A_196 : i32
          %sign3A_198 = arith.constant 0 : i32
          %sign3A_199 = arith.cmpi sgt, %jit3A_189, %sign3A_198 : i32
          %sign3A_200 = arith.extui %sign3A_199 : i1 to i32
          %sign3A_201 = arith.constant 0 : i32
          %sign3A_202 = arith.cmpi slt, %jit3A_189, %sign3A_201 : i32
          %sign3A_203 = arith.extui %sign3A_202 : i1 to i32
          %sign3A_204 = arith.subi %sign3A_200, %sign3A_203 : i32
          %ne3A_205 = arith.cmpi ne, %sign3A_197, %sign3A_204 : i32
          %rem3A_206 = arith.remsi %add3A_188, %jit3A_189 : i32
          %ne3A_207 = arith.constant 0 : i32
          %ne3A_208 = arith.cmpi ne, %rem3A_206, %ne3A_207 : i32
          %and3A_209 = arith.andi %ne3A_205, %ne3A_208 : i1
          %sub3A_210 = arith.constant 1 : i32
          %sub3A_211 = arith.subi %div3A_190, %sub3A_210 : i32
          %select_n3A_212 = arith.select %and3A_209, %sub3A_211, %div3A_190 : i32
          %mul3A_213 = arith.constant 8 : i32
          %mul3A_214 = arith.muli %select_n3A_212, %mul3A_213 : i32
          %sub3A_215 = arith.subi %add3A_188, %mul3A_214 : i32
          %mul3A_216 = arith.constant 16384 : i32
          %mul3A_217 = arith.muli %sub3A_215, %mul3A_216 : i32
          %multiple_of3A_218 = tpu.assume_multiple %mul3A_217, 8 : i32
          %dma_start3A_219 = arith.constant 0 : i32
          %dma_start3A_220 = arith.constant 0 : i32
          %dma_start3A_221 = tpu.memref_slice %arg5[%dma_start3A_219, %dma_start3A_220] : memref<2x16384xi32, #tpu.memory_space<vmem>> -> memref<1x16384xi32, #tpu.memory_space<vmem>>
          %dma_start3A_222 = tpu.memref_squeeze %dma_start3A_221 : memref<1x16384xi32, #tpu.memory_space<vmem>> -> memref<16384xi32, #tpu.memory_space<vmem>>
          %dma_start3A_223 = tpu.memref_slice %arg2[%select_n3A_212, %add3A, %multiple_of3A_218] : memref<4x19x131072xi32, #tpu.memory_space<hbm>> -> memref<1x1x16384xi32, #tpu.memory_space<hbm>>
          %dma_start3A_224 = tpu.memref_squeeze %dma_start3A_223 : memref<1x1x16384xi32, #tpu.memory_space<hbm>> -> memref<16384xi32, #tpu.memory_space<hbm>>
          %dma_start3A_225 = arith.constant 0 : i32
          %dma_start3A_226 = tpu.memref_slice %arg5[%dma_start3A_219, %dma_start3A_225] : memref<2x16384xi32, #tpu.memory_space<vmem>> -> memref<1x16384xi32, #tpu.memory_space<vmem>>
          %dma_start3A_227 = tpu.memref_squeeze %dma_start3A_226 : memref<1x16384xi32, #tpu.memory_space<vmem>> -> memref<16384xi32, #tpu.memory_space<vmem>>
          %dma_start3A_228 = tpu.memref_slice %arg2[%select_n3A_212, %add3A, %multiple_of3A_218] : memref<4x19x131072xi32, #tpu.memory_space<hbm>> -> memref<1x1x16384xi32, #tpu.memory_space<hbm>>
          %dma_start3A_229 = tpu.memref_squeeze %dma_start3A_228 : memref<1x1x16384xi32, #tpu.memory_space<hbm>> -> memref<16384xi32, #tpu.memory_space<hbm>>
          tpu.enqueue_dma source(%dma_start3A_229 : memref<16384xi32, #tpu.memory_space<hbm>>) target(%dma_start3A_227 : memref<16384xi32, #tpu.memory_space<vmem>>) target_semaphore(%arg9 : memref<!tpu.dma_semaphore, #tpu.memory_space<semaphore_mem>>)
        } else {
        }
        %add3A_133 = arith.constant 1 : i32
        %add3A_134 = arith.addi %mul3A_85, %add3A_133 : i32
        %jit3A_135 = arith.constant 8 : i32
        %div3A_136 = arith.divsi %add3A_134, %jit3A_135 : i32
        %sign3A_137 = arith.constant 0 : i32
        %sign3A_138 = arith.cmpi sgt, %add3A_134, %sign3A_137 : i32
        %sign3A_139 = arith.extui %sign3A_138 : i1 to i32
        %sign3A_140 = arith.constant 0 : i32
        %sign3A_141 = arith.cmpi slt, %add3A_134, %sign3A_140 : i32
        %sign3A_142 = arith.extui %sign3A_141 : i1 to i32
        %sign3A_143 = arith.subi %sign3A_139, %sign3A_142 : i32
        %sign3A_144 = arith.constant 0 : i32
        %sign3A_145 = arith.cmpi sgt, %jit3A_135, %sign3A_144 : i32
        %sign3A_146 = arith.extui %sign3A_145 : i1 to i32
        %sign3A_147 = arith.constant 0 : i32
        %sign3A_148 = arith.cmpi slt, %jit3A_135, %sign3A_147 : i32
        %sign3A_149 = arith.extui %sign3A_148 : i1 to i32
        %sign3A_150 = arith.subi %sign3A_146, %sign3A_149 : i32
        %ne3A_151 = arith.cmpi ne, %sign3A_143, %sign3A_150 : i32
        %rem3A_152 = arith.remsi %add3A_134, %jit3A_135 : i32
        %ne3A_153 = arith.constant 0 : i32
        %ne3A_154 = arith.cmpi ne, %rem3A_152, %ne3A_153 : i32
        %and3A_155 = arith.andi %ne3A_151, %ne3A_154 : i1
        %sub3A_156 = arith.constant 1 : i32
        %sub3A_157 = arith.subi %div3A_136, %sub3A_156 : i32
        %select_n3A_158 = arith.select %and3A_155, %sub3A_157, %div3A_136 : i32
        %mul3A_159 = arith.constant 8 : i32
        %mul3A_160 = arith.muli %select_n3A_158, %mul3A_159 : i32
        %sub3A_161 = arith.subi %add3A_134, %mul3A_160 : i32
        %mul3A_162 = arith.constant 16384 : i32
        %mul3A_163 = arith.muli %sub3A_161, %mul3A_162 : i32
        %multiple_of3A_164 = tpu.assume_multiple %mul3A_163, 8 : i32
        %dma_wait3A_165 = arith.constant 1 : i32
        %dma_wait3A_166 = arith.constant 0 : i32
        %dma_wait3A_167 = tpu.memref_slice %arg5[%dma_wait3A_165, %dma_wait3A_166] : memref<2x16384xi32, #tpu.memory_space<vmem>> -> memref<1x16384xi32, #tpu.memory_space<vmem>>
        %dma_wait3A_168 = tpu.memref_squeeze %dma_wait3A_167 : memref<1x16384xi32, #tpu.memory_space<vmem>> -> memref<16384xi32, #tpu.memory_space<vmem>>
        %dma_wait3A_169 = tpu.memref_slice %arg2[%select_n3A_158, %add3A, %multiple_of3A_164] : memref<4x19x131072xi32, #tpu.memory_space<hbm>> -> memref<1x1x16384xi32, #tpu.memory_space<hbm>>
        %dma_wait3A_170 = tpu.memref_squeeze %dma_wait3A_169 : memref<1x1x16384xi32, #tpu.memory_space<hbm>> -> memref<16384xi32, #tpu.memory_space<hbm>>
        %dma_wait3A_171 = arith.constant 0 : i32
        %dma_wait3A_172 = tpu.memref_slice %arg5[%dma_wait3A_165, %dma_wait3A_171] : memref<2x16384xi32, #tpu.memory_space<vmem>> -> memref<1x16384xi32, #tpu.memory_space<vmem>>
        %dma_wait3A_173 = tpu.memref_squeeze %dma_wait3A_172 : memref<1x16384xi32, #tpu.memory_space<vmem>> -> memref<16384xi32, #tpu.memory_space<vmem>>
        %dma_wait3A_174 = tpu.memref_slice %arg2[%select_n3A_158, %add3A, %multiple_of3A_164] : memref<4x19x131072xi32, #tpu.memory_space<hbm>> -> memref<1x1x16384xi32, #tpu.memory_space<hbm>>
        %dma_wait3A_175 = tpu.memref_squeeze %dma_wait3A_174 : memref<1x1x16384xi32, #tpu.memory_space<hbm>> -> memref<16384xi32, #tpu.memory_space<hbm>>
        tpu.wait_dma2 semaphore(%arg10 : memref<!tpu.dma_semaphore, #tpu.memory_space<semaphore_mem>>) src(%dma_wait3A_175 : memref<16384xi32, #tpu.memory_space<hbm>>) dst(%dma_wait3A_173 : memref<16384xi32, #tpu.memory_space<vmem>>)
        %parallel_loop3A_176 = arith.constant 0 : i32
        %parallel_loop3A_177 = arith.constant 1024 : i32
        %parallel_loop3A_178 = arith.constant 1 : i32
        scf.for %parallel_loop3A_187 = %parallel_loop3A_176 to %parallel_loop3A_177 step %parallel_loop3A_178  : i32 {
          %parallel_loop3A_188 = arith.constant 16 : i32
          %parallel_loop3A_189 = arith.muli %parallel_loop3A_187, %parallel_loop3A_188 : i32
          %parallel_loop3A_190 = arith.constant 1 : i32
          %parallel_loop3A_191 = arith.index_cast %parallel_loop3A_190 : i32 to index
          %parallel_loop3A_192 = arith.index_cast %parallel_loop3A_189 : i32 to index
          %parallel_loop3A_193 = tpu.vector_load %arg5[%parallel_loop3A_191, %parallel_loop3A_192] {strides = array<i32>} : memref<2x16384xi32, #tpu.memory_space<vmem>>, vector<16xi32>,
          %parallel_loop3A_194 = arith.constant 65535 : i32
          %parallel_loop3A_195 = vector.broadcast %parallel_loop3A_194 : i32 to vector<16xi32>
          %parallel_loop3A_196 = arith.andi %parallel_loop3A_193, %parallel_loop3A_195 : vector<16xi32>
          %parallel_loop3A_197 = arith.addi %parallel_loop3A_196, %mul3A_5 : vector<16xi32>
          %parallel_loop3A_198 = arith.constant 16 : i32
          %parallel_loop3A_199 = vector.broadcast %parallel_loop3A_198 : i32 to vector<16xi32>
          %parallel_loop3A_200 = arith.shrsi %parallel_loop3A_193, %parallel_loop3A_199 : vector<16xi32>
          %parallel_loop3A_201 = arith.addi %parallel_loop3A_200, %mul3A_5 : vector<16xi32>
          tpu.vector_store_idx %arg4[%parallel_loop3A_197], %broadcast_in_dim3A_6 {add = true} : memref<65808xi32, #tpu.memory_space<vmem>>[vector<16xi32>], vector<16xi32>,
          tpu.vector_store_idx %arg4[%parallel_loop3A_201], %broadcast_in_dim3A_6 {add = true} : memref<65808xi32, #tpu.memory_space<vmem>>[vector<16xi32>], vector<16xi32>,
        } {sc.loop_unroll_factor = 16 : i64, sc.parallel_access}
        %add3A_179 = arith.constant 2 : i32
        %add3A_180 = arith.addi %add3A_134, %add3A_179 : i32
        %lt3A_181 = arith.constant 32 : i32
        %lt3A_182 = arith.cmpi slt, %add3A_180, %lt3A_181 : i32
        %convert_element_type3A_183 = arith.extui %lt3A_182 : i1 to i32
        %cond3A_184 = arith.constant 0 : i32
        %cond3A_185 = arith.cmpi ne, %convert_element_type3A_183, %cond3A_184 : i32
        scf.if %cond3A_185 {
          %add3A_187 = arith.constant 2 : i32
          %add3A_188 = arith.addi %add3A_134, %add3A_187 : i32
          %jit3A_189 = arith.constant 8 : i32
          %div3A_190 = arith.divsi %add3A_188, %jit3A_189 : i32
          %sign3A_191 = arith.constant 0 : i32
          %sign3A_192 = arith.cmpi sgt, %add3A_188, %sign3A_191 : i32
          %sign3A_193 = arith.extui %sign3A_192 : i1 to i32
          %sign3A_194 = arith.constant 0 : i32
          %sign3A_195 = arith.cmpi slt, %add3A_188, %sign3A_194 : i32
          %sign3A_196 = arith.extui %sign3A_195 : i1 to i32
          %sign3A_197 = arith.subi %sign3A_193, %sign3A_196 : i32
          %sign3A_198 = arith.constant 0 : i32
          %sign3A_199 = arith.cmpi sgt, %jit3A_189, %sign3A_198 : i32
          %sign3A_200 = arith.extui %sign3A_199 : i1 to i32
          %sign3A_201 = arith.constant 0 : i32
          %sign3A_202 = arith.cmpi slt, %jit3A_189, %sign3A_201 : i32
          %sign3A_203 = arith.extui %sign3A_202 : i1 to i32
          %sign3A_204 = arith.subi %sign3A_200, %sign3A_203 : i32
          %ne3A_205 = arith.cmpi ne, %sign3A_197, %sign3A_204 : i32
          %rem3A_206 = arith.remsi %add3A_188, %jit3A_189 : i32
          %ne3A_207 = arith.constant 0 : i32
          %ne3A_208 = arith.cmpi ne, %rem3A_206, %ne3A_207 : i32
          %and3A_209 = arith.andi %ne3A_205, %ne3A_208 : i1
          %sub3A_210 = arith.constant 1 : i32
          %sub3A_211 = arith.subi %div3A_190, %sub3A_210 : i32
          %select_n3A_212 = arith.select %and3A_209, %sub3A_211, %div3A_190 : i32
          %mul3A_213 = arith.constant 8 : i32
          %mul3A_214 = arith.muli %select_n3A_212, %mul3A_213 : i32
          %sub3A_215 = arith.subi %add3A_188, %mul3A_214 : i32
          %mul3A_216 = arith.constant 16384 : i32
          %mul3A_217 = arith.muli %sub3A_215, %mul3A_216 : i32
          %multiple_of3A_218 = tpu.assume_multiple %mul3A_217, 8 : i32
          %dma_start3A_219 = arith.constant 1 : i32
          %dma_start3A_220 = arith.constant 0 : i32
          %dma_start3A_221 = tpu.memref_slice %arg5[%dma_start3A_219, %dma_start3A_220] : memref<2x16384xi32, #tpu.memory_space<vmem>> -> memref<1x16384xi32, #tpu.memory_space<vmem>>
          %dma_start3A_222 = tpu.memref_squeeze %dma_start3A_221 : memref<1x16384xi32, #tpu.memory_space<vmem>> -> memref<16384xi32, #tpu.memory_space<vmem>>
          %dma_start3A_223 = tpu.memref_slice %arg2[%select_n3A_212, %add3A, %multiple_of3A_218] : memref<4x19x131072xi32, #tpu.memory_space<hbm>> -> memref<1x1x16384xi32, #tpu.memory_space<hbm>>
          %dma_start3A_224 = tpu.memref_squeeze %dma_start3A_223 : memref<1x1x16384xi32, #tpu.memory_space<hbm>> -> memref<16384xi32, #tpu.memory_space<hbm>>
          %dma_start3A_225 = arith.constant 0 : i32
          %dma_start3A_226 = tpu.memref_slice %arg5[%dma_start3A_219, %dma_start3A_225] : memref<2x16384xi32, #tpu.memory_space<vmem>> -> memref<1x16384xi32, #tpu.memory_space<vmem>>
          %dma_start3A_227 = tpu.memref_squeeze %dma_start3A_226 : memref<1x16384xi32, #tpu.memory_space<vmem>> -> memref<16384xi32, #tpu.memory_space<vmem>>
          %dma_start3A_228 = tpu.memref_slice %arg2[%select_n3A_212, %add3A, %multiple_of3A_218] : memref<4x19x131072xi32, #tpu.memory_space<hbm>> -> memref<1x1x16384xi32, #tpu.memory_space<hbm>>
          %dma_start3A_229 = tpu.memref_squeeze %dma_start3A_228 : memref<1x1x16384xi32, #tpu.memory_space<hbm>> -> memref<16384xi32, #tpu.memory_space<hbm>>
          tpu.enqueue_dma source(%dma_start3A_229 : memref<16384xi32, #tpu.memory_space<hbm>>) target(%dma_start3A_227 : memref<16384xi32, #tpu.memory_space<vmem>>) target_semaphore(%arg10 : memref<!tpu.dma_semaphore, #tpu.memory_space<semaphore_mem>>)
        } else {
        }
        %scan3A_186 = arith.constant 0 : i32
        scf.yield %scan3A_186 : i32
      }
      %scan3A_42 = arith.constant 16 : i32
      %parallel_loop3A_43 = arith.constant 0 : i32
      %parallel_loop3A_44 = arith.constant 128 : i32
      %parallel_loop3A_45 = arith.constant 1 : i32
      %parallel_loop3A_46 = scf.for %parallel_loop3A_82 = %parallel_loop3A_43 to %parallel_loop3A_44 step %parallel_loop3A_45 iter_args(%parallel_loop3A_83 = %broadcast_in_dim3A_8) -> (vector<16xi32>)  : i32 {
        %parallel_loop3A_84 = arith.constant 16 : i32
        %parallel_loop3A_85 = arith.muli %parallel_loop3A_82, %parallel_loop3A_84 : i32
        %parallel_loop3A_86 = arith.constant 2048 : i32
        %parallel_loop3A_87 = arith.addi %parallel_loop3A_86, %parallel_loop3A_85 : i32
        %parallel_loop3A_88 = arith.index_cast %parallel_loop3A_87 : i32 to index
        %parallel_loop3A_89 = tpu.vector_load %arg4[%parallel_loop3A_88] {strides = array<i32>} : memref<65808xi32, #tpu.memory_space<vmem>>, vector<16xi32>,
        %parallel_loop3A_90 = arith.addi %broadcast_in_dim3A_8, %parallel_loop3A_89 : vector<16xi32>
        %parallel_loop3A_91 = arith.constant 0 : i32
        %parallel_loop3A_92 = arith.addi %parallel_loop3A_91, %parallel_loop3A_85 : i32
        %parallel_loop3A_93 = arith.index_cast %parallel_loop3A_92 : i32 to index
        %parallel_loop3A_94 = tpu.vector_load %arg4[%parallel_loop3A_93] {strides = array<i32>} : memref<65808xi32, #tpu.memory_space<vmem>>, vector<16xi32>,
        %parallel_loop3A_95 = arith.addi %broadcast_in_dim3A_8, %parallel_loop3A_94 : vector<16xi32>
        %parallel_loop3A_96 = arith.constant 6161 : i32
        %parallel_loop3A_97 = arith.addi %parallel_loop3A_96, %parallel_loop3A_85 : i32
        %parallel_loop3A_98 = arith.index_cast %parallel_loop3A_97 : i32 to index
        %parallel_loop3A_99 = tpu.vector_load %arg4[%parallel_loop3A_98] {strides = array<i32>} : memref<65808xi32, #tpu.memory_space<vmem>>, vector<16xi32>,
        %parallel_loop3A_100 = arith.addi %parallel_loop3A_90, %parallel_loop3A_99 : vector<16xi32>
        %parallel_loop3A_101 = arith.constant 4113 : i32
        %parallel_loop3A_102 = arith.addi %parallel_loop3A_101, %parallel_loop3A_85 : i32
        %parallel_loop3A_103 = arith.index_cast %parallel_loop3A_102 : i32 to index
        %parallel_loop3A_104 = tpu.vector_load %arg4[%parallel_loop3A_103] {strides = array<i32>} : memref<65808xi32, #tpu.memory_space<vmem>>, vector<16xi32>,
        %parallel_loop3A_105 = arith.addi %parallel_loop3A_95, %parallel_loop3A_104 : vector<16xi32>
        %parallel_loop3A_106 = arith.constant 10274 : i32
        %parallel_loop3A_107 = arith.addi %parallel_loop3A_106, %parallel_loop3A_85 : i32
        %parallel_loop3A_108 = arith.index_cast %parallel_loop3A_107 : i32 to index
        %parallel_loop3A_109 = tpu.vector_load %arg4[%parallel_loop3A_108] {strides = array<i32>} : memref<65808xi32, #tpu.memory_space<vmem>>, vector<16xi32>,
        %parallel_loop3A_110 = arith.addi %parallel_loop3A_100, %parallel_loop3A_109 : vector<16xi32>
        %parallel_loop3A_111 = arith.constant 8226 : i32
        %parallel_loop3A_112 = arith.addi %parallel_loop3A_111, %parallel_loop3A_85 : i32
        %parallel_loop3A_113 = arith.index_cast %parallel_loop3A_112 : i32 to index
        %parallel_loop3A_114 = tpu.vector_load %arg4[%parallel_loop3A_113] {strides = array<i32>} : memref<65808xi32, #tpu.memory_space<vmem>>, vector<16xi32>,
        %parallel_loop3A_115 = arith.addi %parallel_loop3A_105, %parallel_loop3A_114 : vector<16xi32>
        %parallel_loop3A_116 = arith.constant 14387 : i32
        %parallel_loop3A_117 = arith.addi %parallel_loop3A_116, %parallel_loop3A_85 : i32
        %parallel_loop3A_118 = arith.index_cast %parallel_loop3A_117 : i32 to index
        %parallel_loop3A_119 = tpu.vector_load %arg4[%parallel_loop3A_118] {strides = array<i32>} : memref<65808xi32, #tpu.memory_space<vmem>>, vector<16xi32>,
        %parallel_loop3A_120 = arith.addi %parallel_loop3A_110, %parallel_loop3A_119 : vector<16xi32>
        %parallel_loop3A_121 = arith.constant 12339 : i32
        %parallel_loop3A_122 = arith.addi %parallel_loop3A_121, %parallel_loop3A_85 : i32
        %parallel_loop3A_123 = arith.index_cast %parallel_loop3A_122 : i32 to index
        %parallel_loop3A_124 = tpu.vector_load %arg4[%parallel_loop3A_123] {strides = array<i32>} : memref<65808xi32, #tpu.memory_space<vmem>>, vector<16xi32>,
        %parallel_loop3A_125 = arith.addi %parallel_loop3A_115, %parallel_loop3A_124 : vector<16xi32>
        %parallel_loop3A_126 = arith.constant 18500 : i32
        %parallel_loop3A_127 = arith.addi %parallel_loop3A_126, %parallel_loop3A_85 : i32
        %parallel_loop3A_128 = arith.index_cast %parallel_loop3A_127 : i32 to index
        %parallel_loop3A_129 = tpu.vector_load %arg4[%parallel_loop3A_128] {strides = array<i32>} : memref<65808xi32, #tpu.memory_space<vmem>>, vector<16xi32>,
        %parallel_loop3A_130 = arith.addi %parallel_loop3A_120, %parallel_loop3A_129 : vector<16xi32>
        %parallel_loop3A_131 = arith.constant 16452 : i32
        %parallel_loop3A_132 = arith.addi %parallel_loop3A_131, %parallel_loop3A_85 : i32
        %parallel_loop3A_133 = arith.index_cast %parallel_loop3A_132 : i32 to index
        %parallel_loop3A_134 = tpu.vector_load %arg4[%parallel_loop3A_133] {strides = array<i32>} : memref<65808xi32, #tpu.memory_space<vmem>>, vector<16xi32>,
        %parallel_loop3A_135 = arith.addi %parallel_loop3A_125, %parallel_loop3A_134 : vector<16xi32>
        %parallel_loop3A_136 = arith.constant 22613 : i32
        %parallel_loop3A_137 = arith.addi %parallel_loop3A_136, %parallel_loop3A_85 : i32
        %parallel_loop3A_138 = arith.index_cast %parallel_loop3A_137 : i32 to index
        %parallel_loop3A_139 = tpu.vector_load %arg4[%parallel_loop3A_138] {strides = array<i32>} : memref<65808xi32, #tpu.memory_space<vmem>>, vector<16xi32>,
        %parallel_loop3A_140 = arith.addi %parallel_loop3A_130, %parallel_loop3A_139 : vector<16xi32>
        %parallel_loop3A_141 = arith.constant 20565 : i32
        %parallel_loop3A_142 = arith.addi %parallel_loop3A_141, %parallel_loop3A_85 : i32
        %parallel_loop3A_143 = arith.index_cast %parallel_loop3A_142 : i32 to index
        %parallel_loop3A_144 = tpu.vector_load %arg4[%parallel_loop3A_143] {strides = array<i32>} : memref<65808xi32, #tpu.memory_space<vmem>>, vector<16xi32>,
        %parallel_loop3A_145 = arith.addi %parallel_loop3A_135, %parallel_loop3A_144 : vector<16xi32>
        %parallel_loop3A_146 = arith.constant 26726 : i32
        %parallel_loop3A_147 = arith.addi %parallel_loop3A_146, %parallel_loop3A_85 : i32
        %parallel_loop3A_148 = arith.index_cast %parallel_loop3A_147 : i32 to index
        %parallel_loop3A_149 = tpu.vector_load %arg4[%parallel_loop3A_148] {strides = array<i32>} : memref<65808xi32, #tpu.memory_space<vmem>>, vector<16xi32>,
        %parallel_loop3A_150 = arith.addi %parallel_loop3A_140, %parallel_loop3A_149 : vector<16xi32>
        %parallel_loop3A_151 = arith.constant 24678 : i32
        %parallel_loop3A_152 = arith.addi %parallel_loop3A_151, %parallel_loop3A_85 : i32
        %parallel_loop3A_153 = arith.index_cast %parallel_loop3A_152 : i32 to index
        %parallel_loop3A_154 = tpu.vector_load %arg4[%parallel_loop3A_153] {strides = array<i32>} : memref<65808xi32, #tpu.memory_space<vmem>>, vector<16xi32>,
        %parallel_loop3A_155 = arith.addi %parallel_loop3A_145, %parallel_loop3A_154 : vector<16xi32>
        %parallel_loop3A_156 = arith.constant 30839 : i32
        %parallel_loop3A_157 = arith.addi %parallel_loop3A_156, %parallel_loop3A_85 : i32
        %parallel_loop3A_158 = arith.index_cast %parallel_loop3A_157 : i32 to index
        %parallel_loop3A_159 = tpu.vector_load %arg4[%parallel_loop3A_158] {strides = array<i32>} : memref<65808xi32, #tpu.memory_space<vmem>>, vector<16xi32>,
        %parallel_loop3A_160 = arith.addi %parallel_loop3A_150, %parallel_loop3A_159 : vector<16xi32>
        %parallel_loop3A_161 = arith.constant 28791 : i32
        %parallel_loop3A_162 = arith.addi %parallel_loop3A_161, %parallel_loop3A_85 : i32
        %parallel_loop3A_163 = arith.index_cast %parallel_loop3A_162 : i32 to index
        %parallel_loop3A_164 = tpu.vector_load %arg4[%parallel_loop3A_163] {strides = array<i32>} : memref<65808xi32, #tpu.memory_space<vmem>>, vector<16xi32>,
        %parallel_loop3A_165 = arith.addi %parallel_loop3A_155, %parallel_loop3A_164 : vector<16xi32>
        %parallel_loop3A_166 = arith.constant 34952 : i32
        %parallel_loop3A_167 = arith.addi %parallel_loop3A_166, %parallel_loop3A_85 : i32
        %parallel_loop3A_168 = arith.index_cast %parallel_loop3A_167 : i32 to index
        %parallel_loop3A_169 = tpu.vector_load %arg4[%parallel_loop3A_168] {strides = array<i32>} : memref<65808xi32, #tpu.memory_space<vmem>>, vector<16xi32>,
        %parallel_loop3A_170 = arith.addi %parallel_loop3A_160, %parallel_loop3A_169 : vector<16xi32>
        %parallel_loop3A_171 = arith.constant 32904 : i32
        %parallel_loop3A_172 = arith.addi %parallel_loop3A_171, %parallel_loop3A_85 : i32
        %parallel_loop3A_173 = arith.index_cast %parallel_loop3A_172 : i32 to index
        %parallel_loop3A_174 = tpu.vector_load %arg4[%parallel_loop3A_173] {strides = array<i32>} : memref<65808xi32, #tpu.memory_space<vmem>>, vector<16xi32>,
        %parallel_loop3A_175 = arith.addi %parallel_loop3A_165, %parallel_loop3A_174 : vector<16xi32>
        %parallel_loop3A_176 = arith.constant 39065 : i32
        %parallel_loop3A_177 = arith.addi %parallel_loop3A_176, %parallel_loop3A_85 : i32
        %parallel_loop3A_178 = arith.index_cast %parallel_loop3A_177 : i32 to index
        %parallel_loop3A_179 = tpu.vector_load %arg4[%parallel_loop3A_178] {strides = array<i32>} : memref<65808xi32, #tpu.memory_space<vmem>>, vector<16xi32>,
        %parallel_loop3A_180 = arith.addi %parallel_loop3A_170, %parallel_loop3A_179 : vector<16xi32>
        %parallel_loop3A_181 = arith.constant 37017 : i32
        %parallel_loop3A_182 = arith.addi %parallel_loop3A_181, %parallel_loop3A_85 : i32
        %parallel_loop3A_183 = arith.index_cast %parallel_loop3A_182 : i32 to index
        %parallel_loop3A_184 = tpu.vector_load %arg4[%parallel_loop3A_183] {strides = array<i32>} : memref<65808xi32, #tpu.memory_space<vmem>>, vector<16xi32>,
        %parallel_loop3A_185 = arith.addi %parallel_loop3A_175, %parallel_loop3A_184 : vector<16xi32>
        %parallel_loop3A_186 = arith.constant 43178 : i32
        %parallel_loop3A_187 = arith.addi %parallel_loop3A_186, %parallel_loop3A_85 : i32
        %parallel_loop3A_188 = arith.index_cast %parallel_loop3A_187 : i32 to index
        %parallel_loop3A_189 = tpu.vector_load %arg4[%parallel_loop3A_188] {strides = array<i32>} : memref<65808xi32, #tpu.memory_space<vmem>>, vector<16xi32>,
        %parallel_loop3A_190 = arith.addi %parallel_loop3A_180, %parallel_loop3A_189 : vector<16xi32>
        %parallel_loop3A_191 = arith.constant 41130 : i32
        %parallel_loop3A_192 = arith.addi %parallel_loop3A_191, %parallel_loop3A_85 : i32
        %parallel_loop3A_193 = arith.index_cast %parallel_loop3A_192 : i32 to index
        %parallel_loop3A_194 = tpu.vector_load %arg4[%parallel_loop3A_193] {strides = array<i32>} : memref<65808xi32, #tpu.memory_space<vmem>>, vector<16xi32>,
        %parallel_loop3A_195 = arith.addi %parallel_loop3A_185, %parallel_loop3A_194 : vector<16xi32>
        %parallel_loop3A_196 = arith.constant 47291 : i32
        %parallel_loop3A_197 = arith.addi %parallel_loop3A_196, %parallel_loop3A_85 : i32
        %parallel_loop3A_198 = arith.index_cast %parallel_loop3A_197 : i32 to index
        %parallel_loop3A_199 = tpu.vector_load %arg4[%parallel_loop3A_198] {strides = array<i32>} : memref<65808xi32, #tpu.memory_space<vmem>>, vector<16xi32>,
        %parallel_loop3A_200 = arith.addi %parallel_loop3A_190, %parallel_loop3A_199 : vector<16xi32>
        %parallel_loop3A_201 = arith.constant 45243 : i32
        %parallel_loop3A_202 = arith.addi %parallel_loop3A_201, %parallel_loop3A_85 : i32
        %parallel_loop3A_203 = arith.index_cast %parallel_loop3A_202 : i32 to index
        %parallel_loop3A_204 = tpu.vector_load %arg4[%parallel_loop3A_203] {strides = array<i32>} : memref<65808xi32, #tpu.memory_space<vmem>>, vector<16xi32>,
        %parallel_loop3A_205 = arith.addi %parallel_loop3A_195, %parallel_loop3A_204 : vector<16xi32>
        %parallel_loop3A_206 = arith.constant 51404 : i32
        %parallel_loop3A_207 = arith.addi %parallel_loop3A_206, %parallel_loop3A_85 : i32
        %parallel_loop3A_208 = arith.index_cast %parallel_loop3A_207 : i32 to index
        %parallel_loop3A_209 = tpu.vector_load %arg4[%parallel_loop3A_208] {strides = array<i32>} : memref<65808xi32, #tpu.memory_space<vmem>>, vector<16xi32>,
        %parallel_loop3A_210 = arith.addi %parallel_loop3A_200, %parallel_loop3A_209 : vector<16xi32>
        %parallel_loop3A_211 = arith.constant 49356 : i32
        %parallel_loop3A_212 = arith.addi %parallel_loop3A_211, %parallel_loop3A_85 : i32
        %parallel_loop3A_213 = arith.index_cast %parallel_loop3A_212 : i32 to index
        %parallel_loop3A_214 = tpu.vector_load %arg4[%parallel_loop3A_213] {strides = array<i32>} : memref<65808xi32, #tpu.memory_space<vmem>>, vector<16xi32>,
        %parallel_loop3A_215 = arith.addi %parallel_loop3A_205, %parallel_loop3A_214 : vector<16xi32>
        %parallel_loop3A_216 = arith.constant 55517 : i32
        %parallel_loop3A_217 = arith.addi %parallel_loop3A_216, %parallel_loop3A_85 : i32
        %parallel_loop3A_218 = arith.index_cast %parallel_loop3A_217 : i32 to index
        %parallel_loop3A_219 = tpu.vector_load %arg4[%parallel_loop3A_218] {strides = array<i32>} : memref<65808xi32, #tpu.memory_space<vmem>>, vector<16xi32>,
        %parallel_loop3A_220 = arith.addi %parallel_loop3A_210, %parallel_loop3A_219 : vector<16xi32>
        %parallel_loop3A_221 = arith.constant 53469 : i32
        %parallel_loop3A_222 = arith.addi %parallel_loop3A_221, %parallel_loop3A_85 : i32
        %parallel_loop3A_223 = arith.index_cast %parallel_loop3A_222 : i32 to index
        %parallel_loop3A_224 = tpu.vector_load %arg4[%parallel_loop3A_223] {strides = array<i32>} : memref<65808xi32, #tpu.memory_space<vmem>>, vector<16xi32>,
        %parallel_loop3A_225 = arith.addi %parallel_loop3A_215, %parallel_loop3A_224 : vector<16xi32>
        %parallel_loop3A_226 = arith.constant 59630 : i32
        %parallel_loop3A_227 = arith.addi %parallel_loop3A_226, %parallel_loop3A_85 : i32
        %parallel_loop3A_228 = arith.index_cast %parallel_loop3A_227 : i32 to index
        %parallel_loop3A_229 = tpu.vector_load %arg4[%parallel_loop3A_228] {strides = array<i32>} : memref<65808xi32, #tpu.memory_space<vmem>>, vector<16xi32>,
        %parallel_loop3A_230 = arith.addi %parallel_loop3A_220, %parallel_loop3A_229 : vector<16xi32>
        %parallel_loop3A_231 = arith.constant 57582 : i32
        %parallel_loop3A_232 = arith.addi %parallel_loop3A_231, %parallel_loop3A_85 : i32
        %parallel_loop3A_233 = arith.index_cast %parallel_loop3A_232 : i32 to index
        %parallel_loop3A_234 = tpu.vector_load %arg4[%parallel_loop3A_233] {strides = array<i32>} : memref<65808xi32, #tpu.memory_space<vmem>>, vector<16xi32>,
        %parallel_loop3A_235 = arith.addi %parallel_loop3A_225, %parallel_loop3A_234 : vector<16xi32>
        %parallel_loop3A_236 = arith.constant 63743 : i32
        %parallel_loop3A_237 = arith.addi %parallel_loop3A_236, %parallel_loop3A_85 : i32
        %parallel_loop3A_238 = arith.index_cast %parallel_loop3A_237 : i32 to index
        %parallel_loop3A_239 = tpu.vector_load %arg4[%parallel_loop3A_238] {strides = array<i32>} : memref<65808xi32, #tpu.memory_space<vmem>>, vector<16xi32>,
        %parallel_loop3A_240 = arith.addi %parallel_loop3A_230, %parallel_loop3A_239 : vector<16xi32>
        %parallel_loop3A_241 = arith.constant 61695 : i32
        %parallel_loop3A_242 = arith.addi %parallel_loop3A_241, %parallel_loop3A_85 : i32
        %parallel_loop3A_243 = arith.index_cast %parallel_loop3A_242 : i32 to index
        %parallel_loop3A_244 = tpu.vector_load %arg4[%parallel_loop3A_243] {strides = array<i32>} : memref<65808xi32, #tpu.memory_space<vmem>>, vector<16xi32>,
        %parallel_loop3A_245 = arith.addi %parallel_loop3A_235, %parallel_loop3A_244 : vector<16xi32>
        %parallel_loop3A_246 = arith.index_cast %parallel_loop3A_85 : i32 to index
        %parallel_loop3A_247 = tpu.vector_load %arg6[%parallel_loop3A_246] {strides = array<i32>} : memref<2048xi32, #tpu.memory_space<vmem>>, vector<16xi32>,
        tpu.vector_store %arg6[%parallel_loop3A_246], %parallel_loop3A_240 {strides = array<i32>} : memref<2048xi32, #tpu.memory_space<vmem>>, vector<16xi32>,
        %parallel_loop3A_248 = arith.addi %parallel_loop3A_240, %parallel_loop3A_245 : vector<16xi32>
        %parallel_loop3A_249 = arith.index_cast %parallel_loop3A_85 : i32 to index
        %parallel_loop3A_250 = tpu.vector_load %arg7[%parallel_loop3A_249] {strides = array<i32>} : memref<2048xi32, #tpu.memory_space<vmem>>, vector<16xi32>,
        tpu.vector_store %arg7[%parallel_loop3A_249], %parallel_loop3A_248 {strides = array<i32>} : memref<2048xi32, #tpu.memory_space<vmem>>, vector<16xi32>,
        %parallel_loop3A_251 = arith.addi %parallel_loop3A_83, %parallel_loop3A_240 : vector<16xi32>
        scf.yield %parallel_loop3A_251 : vector<16xi32>
      } {sc.loop_unroll_factor = 2 : i64, sc.parallel_access}
      %reduce_sum3A = arith.constant true
      %reduce_sum3A_47 = vector.broadcast %reduce_sum3A : i1 to vector<16xi1>
      %reduce_sum3A_48 = tpu.scan <sum>, %parallel_loop3A_46 masked %reduce_sum3A_47 : vector<16xi32>, vector<16xi1> -> vector<16xi32>
      %reduce_sum3A_49 = vector.extract %reduce_sum3A_48[15] : i32 from vector<16xi32>
      %convert_element_type3A_50 = arith.sitofp %reduce_sum3A_49 : i32 to f32
      %broadcast_in_dim3A_51 = arith.constant 0.000000e+00 : f32
      %broadcast_in_dim3A_52 = vector.broadcast %broadcast_in_dim3A_51 : f32 to vector<16xf32>
      %scan3A_53 = arith.constant 0 : i32
      %scan3A_54 = arith.constant 0 : i32
      %scan3A_55 = arith.constant 0 : i32
      %scan3A_56 = arith.constant 128 : i32
      %scan3A_57 = arith.addi %scan3A_55, %scan3A_56 : i32
      %scan3A_58 = arith.constant 1 : i32
      %scan3A_59:3 = scf.for %scan3A_82 = %scan3A_55 to %scan3A_57 step %scan3A_58 iter_args(%scan3A_83 = %scan3A_53, %scan3A_84 = %scan3A_54, %scan3A_85 = %broadcast_in_dim3A_52) -> (i32, i32, vector<16xf32>)  : i32 {
        %mul3A_86 = arith.constant 16 : i32
        %mul3A_87 = arith.muli %scan3A_82, %mul3A_86 : i32
        %get3A = arith.index_cast %mul3A_87 : i32 to index
        %get3A_88 = tpu.vector_load %arg6[%get3A] {strides = array<i32>} : memref<2048xi32, #tpu.memory_space<vmem>>, vector<16xi32>,
        %mul3A_89 = arith.constant 16 : i32
        %mul3A_90 = arith.muli %scan3A_82, %mul3A_89 : i32
        %get3A_91 = arith.index_cast %mul3A_90 : i32 to index
        %get3A_92 = tpu.vector_load %arg7[%get3A_91] {strides = array<i32>} : memref<2048xi32, #tpu.memory_space<vmem>>, vector<16xi32>,
        %broadcast_in_dim3A_93 = arith.constant true
        %broadcast_in_dim3A_94 = vector.broadcast %broadcast_in_dim3A_93 : i1 to vector<16xi1>
        %masked_cumsum3A = tpu.scan <sum>, %get3A_88 masked %broadcast_in_dim3A_94 : vector<16xi32>, vector<16xi1> -> vector<16xi32>
        %add3A_95 = vector.broadcast %scan3A_83 : i32 to vector<16xi32>
        %add3A_96 = arith.addi %masked_cumsum3A, %add3A_95 : vector<16xi32>
        %convert_element_type3A_97 = arith.sitofp %add3A_96 : vector<16xi32> to vector<16xf32>
        %broadcast_in_dim3A_98 = arith.constant true
        %broadcast_in_dim3A_99 = vector.broadcast %broadcast_in_dim3A_98 : i1 to vector<16xi1>
        %masked_cumsum3A_100 = tpu.scan <sum>, %get3A_92 masked %broadcast_in_dim3A_99 : vector<16xi32>, vector<16xi1> -> vector<16xi32>
        %add3A_101 = vector.broadcast %scan3A_84 : i32 to vector<16xi32>
        %add3A_102 = arith.addi %masked_cumsum3A_100, %add3A_101 : vector<16xi32>
        %convert_element_type3A_103 = arith.sitofp %add3A_102 : vector<16xi32> to vector<16xf32>
        %add3A_104 = vector.broadcast %convert_element_type3A_50 : f32 to vector<16xf32>
        %add3A_105 = arith.addf %add3A_104, %convert_element_type3A_103 : vector<16xf32>
        %sub3A_106 = arith.subf %add3A_105, %convert_element_type3A_97 : vector<16xf32>
        %max3A = arith.constant 1.000000e+00 : f32
        %max3A_107 = vector.broadcast %max3A : f32 to vector<16xf32>
        %max3A_108 = arith.maximumf %sub3A_106, %max3A_107 : vector<16xf32>
        %sub3A_109 = vector.broadcast %convert_element_type3A_50 : f32 to vector<16xf32>
        %sub3A_110 = arith.subf %sub3A_109, %convert_element_type3A_97 : vector<16xf32>
        %div3A = arith.divf %sub3A_110, %max3A_108 : vector<16xf32>
        %sub3A_111 = arith.constant 1.000000e+00 : f32
        %sub3A_112 = vector.broadcast %sub3A_111 : f32 to vector<16xf32>
        %sub3A_113 = arith.subf %sub3A_112, %div3A : vector<16xf32>
        %reduce_sum3A_114 = arith.constant true
        %reduce_sum3A_115 = vector.broadcast %reduce_sum3A_114 : i1 to vector<16xi1>
        %reduce_sum3A_116 = tpu.scan <sum>, %get3A_88 masked %reduce_sum3A_115 : vector<16xi32>, vector<16xi1> -> vector<16xi32>
        %reduce_sum3A_117 = vector.extract %reduce_sum3A_116[15] : i32 from vector<16xi32>
        %add3A_118 = arith.addi %scan3A_83, %reduce_sum3A_117 : i32
        %reduce_sum3A_119 = arith.constant true
        %reduce_sum3A_120 = vector.broadcast %reduce_sum3A_119 : i1 to vector<16xi1>
        %reduce_sum3A_121 = tpu.scan <sum>, %get3A_92 masked %reduce_sum3A_120 : vector<16xi32>, vector<16xi1> -> vector<16xi32>
        %reduce_sum3A_122 = vector.extract %reduce_sum3A_121[15] : i32 from vector<16xi32>
        %add3A_123 = arith.addi %scan3A_84, %reduce_sum3A_122 : i32
        %add3A_124 = arith.addf %scan3A_85, %sub3A_113 : vector<16xf32>
        scf.yield %add3A_118, %add3A_123, %add3A_124 : i32, i32, vector<16xf32>
      }
      %scan3A_60 = arith.constant 128 : i32
      %reduce_sum3A_61 = arith.constant true
      %reduce_sum3A_62 = vector.broadcast %reduce_sum3A_61 : i1 to vector<16xi1>
      %reduce_sum3A_63 = tpu.scan <sum>, %scan3A_59#2 masked %reduce_sum3A_62 : vector<16xf32>, vector<16xi1> -> vector<16xf32>
      %reduce_sum3A_64 = vector.extract %reduce_sum3A_63[15] : f32 from vector<16xf32>
      %sub3A = arith.constant 5.000000e-01 : f32
      %sub3A_65 = arith.subf %reduce_sum3A_64, %sub3A : f32
      %mul3A_66 = arith.constant 4.8828125E-4 : f32
      %mul3A_67 = arith.mulf %sub3A_65, %mul3A_66 : f32
      %gt3A = arith.constant 0 : i32
      %gt3A_68 = arith.cmpi sgt, %reduce_sum3A_49, %gt3A : i32
      %convert_element_type3A_69 = arith.extui %gt3A_68 : i1 to i32
      %convert_element_type3A_70 = arith.sitofp %convert_element_type3A_69 : i32 to f32
      %mul3A_71 = arith.mulf %mul3A_67, %convert_element_type3A_70 : f32
      %eq3A = arith.constant 0 : i32
      %eq3A_72 = vector.broadcast %eq3A : i32 to vector<16xi32>
      %eq3A_73 = arith.cmpi eq, %iota3A, %eq3A_72 : vector<16xi32>
      %eq3A_74 = arith.constant 1 : i32
      %eq3A_75 = vector.broadcast %eq3A_74 : i32 to vector<16xi32>
      %eq3A_76 = arith.cmpi eq, %iota3A, %eq3A_75 : vector<16xi32>
      %jit3A = arith.constant 0.000000e+00 : f32
      %broadcast_in_dim3A_77 = vector.broadcast %convert_element_type3A_70 : f32 to vector<16xf32>
      %broadcast_in_dim3A_78 = vector.broadcast %jit3A : f32 to vector<16xf32>
      %select_n3A = arith.select %eq3A_76, %broadcast_in_dim3A_77, %broadcast_in_dim3A_78 : vector<16xi1>, vector<16xf32>
      %broadcast_in_dim3A_79 = vector.broadcast %mul3A_71 : f32 to vector<16xf32>
      %select_n3A_80 = arith.select %eq3A_73, %broadcast_in_dim3A_79, %select_n3A : vector<16xi1>, vector<16xf32>
      %swap3A = arith.constant 0 : index
      %swap3A_81 = tpu.vector_load %arg8[%swap3A] {strides = array<i32>} : memref<16xf32, #tpu.memory_space<vmem>>, vector<16xf32>,
      tpu.vector_store %arg8[%swap3A], %select_n3A_80 {strides = array<i32>} : memref<16xf32, #tpu.memory_space<vmem>>, vector<16xf32>,
      "tpu.region"() ({
        %run_scoped3A = tpu.sem_alloc : memref<!tpu.dma_semaphore, #tpu.memory_space<semaphore_mem>>
        %dma_start3A_82 = arith.constant 0 : i32
        %dma_start3A_83 = tpu.memref_slice %arg3[%add3A, %dma_start3A_82] : memref<19x16xf32, #tpu.memory_space<hbm>> -> memref<1x16xf32, #tpu.memory_space<hbm>>
        %dma_start3A_84 = tpu.memref_squeeze %dma_start3A_83 : memref<1x16xf32, #tpu.memory_space<hbm>> -> memref<16xf32, #tpu.memory_space<hbm>>
        %dma_start3A_85 = arith.constant 0 : i32
        %dma_start3A_86 = tpu.memref_slice %arg3[%add3A, %dma_start3A_85] : memref<19x16xf32, #tpu.memory_space<hbm>> -> memref<1x16xf32, #tpu.memory_space<hbm>>
        %dma_start3A_87 = tpu.memref_squeeze %dma_start3A_86 : memref<1x16xf32, #tpu.memory_space<hbm>> -> memref<16xf32, #tpu.memory_space<hbm>>
        tpu.enqueue_dma source(%arg8 : memref<16xf32, #tpu.memory_space<vmem>>) target(%dma_start3A_87 : memref<16xf32, #tpu.memory_space<hbm>>) target_semaphore(%run_scoped3A : memref<!tpu.dma_semaphore, #tpu.memory_space<semaphore_mem>>)
        %dma_wait3A = arith.constant 0 : i32
        %dma_wait3A_88 = tpu.memref_slice %arg3[%add3A, %dma_wait3A] : memref<19x16xf32, #tpu.memory_space<hbm>> -> memref<1x16xf32, #tpu.memory_space<hbm>>
        %dma_wait3A_89 = tpu.memref_squeeze %dma_wait3A_88 : memref<1x16xf32, #tpu.memory_space<hbm>> -> memref<16xf32, #tpu.memory_space<hbm>>
        %dma_wait3A_90 = arith.constant 0 : i32
        %dma_wait3A_91 = tpu.memref_slice %arg3[%add3A, %dma_wait3A_90] : memref<19x16xf32, #tpu.memory_space<hbm>> -> memref<1x16xf32, #tpu.memory_space<hbm>>
        %dma_wait3A_92 = tpu.memref_squeeze %dma_wait3A_91 : memref<1x16xf32, #tpu.memory_space<hbm>> -> memref<16xf32, #tpu.memory_space<hbm>>
        tpu.wait_dma2 semaphore(%run_scoped3A : memref<!tpu.dma_semaphore, #tpu.memory_space<semaphore_mem>>) src(%arg8 : memref<16xf32, #tpu.memory_space<vmem>>) dst(%dma_wait3A_92 : memref<16xf32, #tpu.memory_space<hbm>>)
        tpu.yield
      }) : () -> ()
    } else {
    }
    return
  }
}

module attributes {stable_mosaic.version = 14 : i64} {
  func.func @_binize_body(%arg0: i32, %arg1: i32, %arg2: memref<1x19x65536xf32, #tpu.memory_space<vmem>>, %arg3: memref<1x1x65536xi32, #tpu.memory_space<vmem>>, %arg4: memref<1x19x32768xi32, #tpu.memory_space<vmem>>) attributes {dimension_semantics = [#tpu.dimension_semantics<arbitrary>, #tpu.dimension_semantics<arbitrary>], iteration_bounds = array<i64: 4, 4>, scalar_prefetch = 0 : i64, scratch_operands = 0 : i64, tpu.core_type = #tpu.core_type<tc>, window_params = [{transform_indices = @transform_0, window_bounds = array<i64: 1, 19, 65536>}, {transform_indices = @transform_1, window_bounds = array<i64: 1, 1, 65536>}, {transform_indices = @transform_2, window_bounds = array<i64: 1, 19, 32768>}]} {
    %get3A = arith.constant 0 : index
    %get3A_0 = arith.constant 0 : index
    %get3A_1 = arith.constant 0 : index
    %get3A_2 = vector.load %arg2[%get3A, %get3A_0, %get3A_1] : memref<1x19x65536xf32, #tpu.memory_space<vmem>>, vector<1x19x65536xf32>
    %get3A_3 = vector.shape_cast %get3A_2 : vector<1x19x65536xf32> to vector<19x65536xf32>
    %exp3A = math.exp %get3A_3 : vector<19x65536xf32>
    %reduce_sum3A = arith.constant dense<0.000000e+00> : vector<65536xf32>
    %reduce_sum3A_4 = vector.multi_reduction <add>, %exp3A, %reduce_sum3A [0] : vector<19x65536xf32> to vector<65536xf32>
    %broadcast_in_dim3A = vector.shape_cast %reduce_sum3A_4 : vector<65536xf32> to vector<1x65536xf32>
    %div3A = vector.broadcast %broadcast_in_dim3A : vector<1x65536xf32> to vector<19x65536xf32>
    %div3A_5 = arith.divf %exp3A, %div3A : vector<19x65536xf32>
    %get3A_6 = arith.constant 0 : index
    %get3A_7 = arith.constant 0 : index
    %get3A_8 = arith.constant 0 : index
    %get3A_9 = vector.load %arg3[%get3A_6, %get3A_7, %get3A_8] : memref<1x1x65536xi32, #tpu.memory_space<vmem>>, vector<1x1x65536xi32>
    %get3A_10 = vector.shape_cast %get3A_9 : vector<1x1x65536xi32> to vector<1x65536xi32>
    %ne3A = arith.constant 255 : i32
    %ne3A_11 = vector.broadcast %ne3A : i32 to vector<1x65536xi32>
    %ne3A_12 = arith.cmpi ne, %get3A_10, %ne3A_11 : vector<1x65536xi32>
    %iota3A = tpu.iota {dimensions = array<i32: 0>} : vector<19x65536xi32>
    %eq3A = vector.broadcast %get3A_10 : vector<1x65536xi32> to vector<19x65536xi32>
    %eq3A_13 = arith.cmpi eq, %iota3A, %eq3A : vector<19x65536xi32>
    %and3A = vector.broadcast %ne3A_12 : vector<1x65536xi1> to vector<19x65536xi1>
    %and3A_14 = arith.andi %eq3A_13, %and3A : vector<19x65536xi1>
    %sub3A = arith.constant 1.000000e+00 : f32
    %sub3A_15 = vector.broadcast %sub3A : f32 to vector<19x65536xf32>
    %sub3A_16 = arith.subf %sub3A_15, %div3A_5 : vector<19x65536xf32>
    %select_n3A = arith.select %and3A_14, %sub3A_16, %div3A_5 : vector<19x65536xi1>, vector<19x65536xf32>
    %mul3A = arith.constant 2.048000e+03 : f32
    %mul3A_17 = vector.broadcast %mul3A : f32 to vector<19x65536xf32>
    %mul3A_18 = arith.mulf %select_n3A, %mul3A_17 : vector<19x65536xf32>
    %convert_element_type3A = arith.fptosi %mul3A_18 : vector<19x65536xf32> to vector<19x65536xi32>
    %min3A = arith.constant 2047 : i32
    %min3A_19 = vector.broadcast %min3A : i32 to vector<19x65536xi32>
    %min3A_20 = arith.minsi %convert_element_type3A, %min3A_19 : vector<19x65536xi32>
    %sub3A_21 = arith.constant 2047 : i32
    %sub3A_22 = vector.broadcast %sub3A_21 : i32 to vector<19x65536xi32>
    %sub3A_23 = arith.subi %sub3A_22, %min3A_20 : vector<19x65536xi32>
    %jit3A = arith.constant 2048 : i32
    %jit3A_24 = arith.constant 0 : i32
    %broadcast_in_dim3A_25 = vector.broadcast %jit3A : i32 to vector<19x65536xi32>
    %broadcast_in_dim3A_26 = vector.broadcast %jit3A_24 : i32 to vector<19x65536xi32>
    %select_n3A_27 = arith.select %and3A_14, %broadcast_in_dim3A_25, %broadcast_in_dim3A_26 : vector<19x65536xi1>, vector<19x65536xi32>
    %add3A = arith.addi %sub3A_23, %select_n3A_27 : vector<19x65536xi32>
    %jit3A_28 = arith.constant 4096 : i32
    %broadcast_in_dim3A_29 = vector.shape_cast %ne3A_12 : vector<1x65536xi1> to vector<1x65536xi1>
    %broadcast_in_dim3A_30 = vector.broadcast %broadcast_in_dim3A_29 : vector<1x65536xi1> to vector<19x65536xi1>
    %broadcast_in_dim3A_31 = vector.broadcast %jit3A_28 : i32 to vector<19x65536xi32>
    %select_n3A_32 = arith.select %broadcast_in_dim3A_30, %add3A, %broadcast_in_dim3A_31 : vector<19x65536xi1>, vector<19x65536xi32>
    %slice3A = vector.extract_strided_slice %select_n3A_32 {offsets = [0, 0], sizes = [19, 32768], strides = [1, 1]} : vector<19x65536xi32> to vector<19x32768xi32>
    %slice3A_33 = vector.extract_strided_slice %select_n3A_32 {offsets = [0, 32768], sizes = [19, 32768], strides = [1, 1]} : vector<19x65536xi32> to vector<19x32768xi32>
    %shift_left3A = arith.constant 16 : i32
    %shift_left3A_34 = vector.broadcast %shift_left3A : i32 to vector<19x32768xi32>
    %shift_left3A_35 = arith.shli %slice3A_33, %shift_left3A_34 : vector<19x32768xi32>
    %or3A = arith.ori %slice3A, %shift_left3A_35 : vector<19x32768xi32>
    %swap3A = arith.constant 0 : index
    %swap3A_36 = arith.constant 0 : index
    %swap3A_37 = arith.constant 0 : index
    %swap3A_38 = vector.load %arg4[%swap3A, %swap3A_36, %swap3A_37] : memref<1x19x32768xi32, #tpu.memory_space<vmem>>, vector<1x19x32768xi32>
    %swap3A_39 = vector.shape_cast %swap3A_38 : vector<1x19x32768xi32> to vector<19x32768xi32>
    %swap3A_40 = vector.shape_cast %or3A : vector<19x32768xi32> to vector<1x19x32768xi32>
    tpu.vector_store %arg4[%swap3A, %swap3A_36, %swap3A_37], %swap3A_40 {strides = array<i32>} : memref<1x19x32768xi32, #tpu.memory_space<vmem>>, vector<1x19x32768xi32>,
    return
  }
  func.func @transform_0(%arg0: i32, %arg1: i32) -> (i32, i32, i32) {
    %c0_i32 = arith.constant 0 : i32
    %c0_i32_0 = arith.constant 0 : i32
    return %arg0, %c0_i32, %arg1 : i32, i32, i32
  }
  func.func @transform_1(%arg0: i32, %arg1: i32) -> (i32, i32, i32) {
    %c0_i32 = arith.constant 0 : i32
    %c0_i32_0 = arith.constant 0 : i32
    return %arg0, %c0_i32, %arg1 : i32, i32, i32
  }
  func.func @transform_2(%arg0: i32, %arg1: i32) -> (i32, i32, i32) {
    %c0_i32 = arith.constant 0 : i32
    %c0_i32_0 = arith.constant 0 : i32
    return %arg0, %c0_i32, %arg1 : i32, i32, i32
  }
}

module attributes {stable_mosaic.version = 14 : i64} {
  func.func @_finalize_body(%arg0: memref<19x16xf32, #tpu.memory_space<vmem>>, %arg1: memref<8x128xf32, #tpu.memory_space<vmem>>) attributes {dimension_semantics = [], scalar_prefetch = 0 : i64, scratch_operands = 0 : i64, tpu.core_type = #tpu.core_type<tc>} {
    %get3A = arith.constant 0 : index
    %get3A_0 = arith.constant 0 : index
    %get3A_1 = vector.load %arg0[%get3A, %get3A_0] : memref<19x16xf32, #tpu.memory_space<vmem>>, vector<19x16xf32>
    %iota3A = tpu.iota {dimensions = array<i32: 1>} : vector<19x16xi32>
    %eq3A = arith.constant 0 : i32
    %eq3A_2 = vector.broadcast %eq3A : i32 to vector<19x16xi32>
    %eq3A_3 = arith.cmpi eq, %iota3A, %eq3A_2 : vector<19x16xi32>
    %jit3A = arith.constant 0.000000e+00 : f32
    %broadcast_in_dim3A = vector.broadcast %jit3A : f32 to vector<19x16xf32>
    %select_n3A = arith.select %eq3A_3, %get3A_1, %broadcast_in_dim3A : vector<19x16xi1>, vector<19x16xf32>
    %reduce_sum3A = vector.shape_cast %select_n3A : vector<19x16xf32> to vector<1x19x16xf32>
    %reduce_sum3A_4 = arith.constant dense<0.000000e+00> : vector<1xf32>
    %reduce_sum3A_5 = vector.multi_reduction <add>, %reduce_sum3A, %reduce_sum3A_4 [1, 2] : vector<1x19x16xf32> to vector<1xf32>
    %reduce_sum3A_6 = vector.shape_cast %reduce_sum3A_5 : vector<1xf32> to vector<1x1x1xf32>
    %reduce_sum3A_7 = vector.extract %reduce_sum3A_6[0, 0, 0] : f32 from vector<1x1x1xf32>
    %eq3A_8 = arith.constant 1 : i32
    %eq3A_9 = vector.broadcast %eq3A_8 : i32 to vector<19x16xi32>
    %eq3A_10 = arith.cmpi eq, %iota3A, %eq3A_9 : vector<19x16xi32>
    %jit3A_11 = arith.constant 0.000000e+00 : f32
    %broadcast_in_dim3A_12 = vector.broadcast %jit3A_11 : f32 to vector<19x16xf32>
    %select_n3A_13 = arith.select %eq3A_10, %get3A_1, %broadcast_in_dim3A_12 : vector<19x16xi1>, vector<19x16xf32>
    %reduce_sum3A_14 = vector.shape_cast %select_n3A_13 : vector<19x16xf32> to vector<1x19x16xf32>
    %reduce_sum3A_15 = arith.constant dense<0.000000e+00> : vector<1xf32>
    %reduce_sum3A_16 = vector.multi_reduction <add>, %reduce_sum3A_14, %reduce_sum3A_15 [1, 2] : vector<1x19x16xf32> to vector<1xf32>
    %reduce_sum3A_17 = vector.shape_cast %reduce_sum3A_16 : vector<1xf32> to vector<1x1x1xf32>
    %reduce_sum3A_18 = vector.extract %reduce_sum3A_17[0, 0, 0] : f32 from vector<1x1x1xf32>
    %max3A = arith.constant 1.000000e+00 : f32
    %max3A_19 = arith.maximumf %reduce_sum3A_18, %max3A : f32
    %div3A = arith.divf %reduce_sum3A_7, %max3A_19 : f32
    %broadcast_in_dim3A_20 = vector.broadcast %div3A : f32 to vector<8x128xf32>
    %swap3A = arith.constant 0 : index
    %swap3A_21 = arith.constant 0 : index
    %swap3A_22 = vector.load %arg1[%swap3A, %swap3A_21] : memref<8x128xf32, #tpu.memory_space<vmem>>, vector<8x128xf32>
    tpu.vector_store %arg1[%swap3A, %swap3A_21], %broadcast_in_dim3A_20 {strides = array<i32>} : memref<8x128xf32, #tpu.memory_space<vmem>>, vector<8x128xf32>,
    return
  }
}

</mosaic_0001>

<sc_bundles>
// kernel: kernel.5.cloned.1.call-start
scs
__scs_entry_jumppad:
0x0: {  	(pc) =	sbr.rel $0x88, $3  }
0x1: {  	(tag) =	ssettag $0x0;
	lr =	simm.s32 $0x1  }
0x2: {  	[smem:$0x3F9F] =	sst lr;
	_ =	strace $0xD0000000  }
0x3: {  	_ = 	snop  }
0x4: {  	_ = 	snop  }
0x5: {  	_ = 	snop  }
0x6: {  	_ = 	snop  }
0x7: {  	_ = 	snop  }
__scs_overlays_trampoline_lowered:
0x8: {  	[smem:$0x3FAE] =	sst s0  }
0x9: {  	[smem:$0x3FAF] =	sst s1  }
0xa: {  	[smem:$0x3FB0] =	sst s2  }
0xb: {  	[smem:$0x3FB1] =	sst s3  }
0xc: {  	[smem:$0x3FB2] =	sst s4  }
0xd: {  	[smem:$0x3FB3] =	sst s5  }
0xe: {  	[smem:$0x3FB4] =	sst s6  }
0xf: {  	[smem:$0x3FB5] =	sst s7  }
0x10: {  	[smem:$0x3FB6] =	sst s8  }
0x11: {  	[smem:$0x3FB7] =	sst s9;
	s0 =	simm.s32 @!p0 $0x0  }
0x12: {  	s1 =	sld [smem:$0x3F9D];
	s0 =	simm.s32 @p0 $0x1  }
0x13: {  	[smem:$0x3FB8] =	sst s0;
	s0 =	simm.s32 @!p1 $0x0  }
0x14: {  	s2 =	sld [smem:$0x3F9C];
	s0 =	simm.s32 @p1 $0x1  }
0x15: {  	[smem:$0x3FB9] =	sst s0;
	s0 =	simm.s32 @!p2 $0x0  }
0x16: {  	s3 =	sld [smem:$0x3FDB];
	s0 =	simm.s32 @p2 $0x1  }
0x17: {  	s4 =	simm.s32 $0x1BF5;
	[smem:$0x3FBB] =	sst s0  }
0x18: {  	s0 =	sld [smem:$0x3F9E];
	_ =	swait.ge [sflag:s4], $0x0  }
0x19: {  	s7 =	sld [smem:$0x3F9F]  }
0x1a: {  	s8 =	sadd.s32 $0xFFFFE003, lr  }
0x1b: {  	s9 =	sadd.s32 $0xFFFFFEF7, lr;
	s5 =	simm.s32 $0xFFFFFFFF;
	p2 =	slt.u32 s8, $0xFFFFF086  }
0x1c: {  	p1 =	slt.u32 s9, $0xF7A;
	s5 =	simm.s32 @!p2 $0x0  }
0x1d: {  	s5 =	simm.s32 @p1 $0x1;
	p0 =	seq.s32 s7, s2  }
0x1e: {  	s7 =	smul.u32 @!p0 $0xF7A, s2;
	p2 =	seq.s32 @!p0 s5, $0x0  }
0x1f: {  	s9 =	smul.u32 $0xF7A, s1;
	s8 =	simm.s32 @!p0 $0x1BF5;
	p2 =	por !p2, p0  }
0x20: {  	[sflag:s8] =	ssyncset.s32 @!p0 $0xFFFFF086;
	s6 =	sadd.s32 @!p0 s3, s7;
	s7 =	simm.s32 @!p0 $0x108  }
0x21: {  	s3 =	sadd.s32 s3, s9;
	s6 =	sadd.s32 @!p0 $0x88, s6;
	s7 =	simm.s32 @p2 $0x1082  }
0x22: {  	[simem:s7], [sflag:s8] =	dma.local @!p0 [hbm:s6], $0xF7A  }
0x23: {  	s9 =	sor.u32 $0xD0000000, s2;
	s6 =	simm.s32 $0x108;
	_ =	swait.ge @!p0 [sflag:s8], $0x0  }
0x24: {  	s3 =	sadd.s32 $0x88, s3;
	s6 =	simm.s32 @!p1 $0x1082;
	[sflag:s4] =	ssyncset.s32 $0xFFFFF086  }
0x25: {  	[simem:s6], [sflag:s4] =	dma.local [hbm:s3], $0xF7A  }
0x26: {  	[smem:$0x3F9F] =	sst s1;
	(tag) =	ssettag s2;
	_ =	strace s9  }
0x27: {  	s1 =	sld [smem:$0x3FAF]  }
0x28: {  	s2 =	sld [smem:$0x3FB0]  }
0x29: {  	s4 =	sld [smem:$0x3FB2]  }
0x2a: {  	p0 =	seq.s32 s5, $0x0;
	s5 =	sld [smem:$0x3FB3]  }
0x2b: {  	s6 =	sld [smem:$0x3FB4]  }
0x2c: {  	s7 =	sld [smem:$0x3FB5]  }
0x2d: {  	s3 =	simm.s32 $0x108;
	s8 =	sld [smem:$0x3FB6]  }
0x2e: {  	s3 =	simm.s32 @!p0 $0x1082;
	s9 =	sld [smem:$0x3FB7]  }
0x2f: {  	lr =	sadd.s32 s0, s3;
	s0 =	sld [smem:$0x3FAE]  }
0x30: {  	s3 =	sld [smem:$0x3FB1]  }
0x31: {  	[smem:$0x3FBA] =	sst s10  }
0x32: {  	s10 =	sld [smem:$0x3FB8];
	_ =	sdelay $0x3  }
0x33: {  	p0 =	seq.s32 s10, $0x1;
	s10 =	sld [smem:$0x3FBA];
	_ =	sdelay $0x3  }
0x34: {  	[smem:$0x3FBA] =	sst s10  }
0x35: {  	s10 =	sld [smem:$0x3FB9];
	_ =	sdelay $0x3  }
0x36: {  	p1 =	seq.s32 s10, $0x1;
	s10 =	sld [smem:$0x3FBA];
	_ =	sdelay $0x3  }
0x37: {  	[smem:$0x3FBA] =	sst s10  }
0x38: {  	s10 =	sld [smem:$0x3FBB]  }
0x39: {  	_ = 	snop;
	(pc) =	sbr.ind lr, $3  }
0x3a: {  	_ = 	snop  }
0x3b: {  	_ = 	snop  }
0x3c: {  	p2 =	seq.s32 s10, $0x1;
	s10 =	sld [smem:$0x3FBA]  }
0x3d: {  	_ =	shalt  }
0x3e: {  	_ =	shalt  }
0x3f: {  	_ =	shalt  }
0x40: {  	_ =	shalt  }
0x41: {  	_ =	shalt  }
0x42: {  	_ =	shalt  }
0x43: {  	_ =	shalt  }
0x44: {  	_ =	shalt  }
0x45: {  	_ =	shalt  }
0x46: {  	_ =	shalt  }
0x47: {  	_ =	shalt  }
0x48: {  	_ =	shalt  }
0x49: {  	_ =	shalt  }
0x4a: {  	_ =	shalt  }
0x4b: {  	_ =	shalt  }
0x4c: {  	_ =	shalt  }
0x4d: {  	_ =	shalt  }
0x4e: {  	_ =	shalt  }
0x4f: {  	_ =	shalt  }
0x50: {  	_ =	shalt  }
0x51: {  	_ =	shalt  }
0x52: {  	_ =	shalt  }
0x53: {  	_ =	shalt  }
0x54: {  	_ =	shalt  }
0x55: {  	_ =	shalt  }
0x56: {  	_ =	shalt  }
0x57: {  	_ =	shalt  }
0x58: {  	_ =	shalt  }
0x59: {  	_ =	shalt  }
0x5a: {  	_ =	shalt  }
0x5b: {  	_ =	shalt  }
0x5c: {  	_ =	shalt  }
0x5d: {  	_ =	shalt  }
0x5e: {  	_ =	shalt  }
0x5f: {  	_ =	shalt  }
0x60: {  	_ =	shalt  }
0x61: {  	_ =	shalt  }
0x62: {  	_ =	shalt  }
0x63: {  	_ =	shalt  }
0x64: {  	_ =	shalt  }
0x65: {  	_ =	shalt  }
0x66: {  	_ =	shalt  }
0x67: {  	_ =	shalt  }
0x68: {  	_ =	shalt  }
0x69: {  	_ =	shalt  }
0x6a: {  	_ =	shalt  }
0x6b: {  	_ =	shalt  }
0x6c: {  	_ =	shalt  }
0x6d: {  	_ =	shalt  }
0x6e: {  	_ =	shalt  }
0x6f: {  	_ =	shalt  }
0x70: {  	_ =	shalt  }
0x71: {  	_ =	shalt  }
0x72: {  	_ =	shalt  }
0x73: {  	_ =	shalt  }
0x74: {  	_ =	shalt  }
0x75: {  	_ =	shalt  }
0x76: {  	_ =	shalt  }
0x77: {  	_ =	shalt  }
0x78: {  	_ =	shalt  }
0x79: {  	_ =	shalt  }
0x7a: {  	_ =	shalt  }
0x7b: {  	_ =	shalt  }
0x7c: {  	_ =	shalt  }
0x7d: {  	_ =	shalt  }
0x7e: {  	_ =	shalt  }
0x7f: {  	_ =	shalt  }
0x80: {  	_ =	shalt  }
0x81: {  	_ =	shalt  }
0x82: {  	_ =	shalt  }
0x83: {  	_ =	shalt  }
0x84: {  	_ =	shalt  }
0x85: {  	_ =	shalt  }
0x86: {  	_ =	shalt  }
0x87: {  	_ =	shalt  }
.Lfunc_end0:
.L_simem_size_0:
called_computation_lowered:
.L_overlay_start_0:
0x88: {  	s2 =	sld [smem:$0x3FD9]  }
0x89: {  	s3 =	sld [smem:$0x3FFE];
	_ =	sdelay $0x1  }
0x8a: {  	s1 =	srdreg.scid  }
0x8b: {  	s0 =	sand.u32 $0x1, s1  }
0x8c: {  	s16 =	sshll.u32 s0, $0xA;
	s2 =	sadd.s32 s3, s2  }
0x8d: {  	s2 =	sadd.s32 s2, s16  }
0x8e: {  	[smem:$0x3FC6] =	sst s2  }
0x8f: {  	_ = 	snop  }
0x90: {  	(tm) =	ssettm $0x1  }
0x91: {  	s17 =	sld [smem:$0x3FFB];
	_ =	sdelay $0x3  }
0x92: {  	_ =	strace s17  }
0x93: {  	s2 =	sld [smem:$0x3FFC];
	_ =	sdelay $0x3  }
0x94: {  	_ =	strace s2  }
0x95: {  	s2 =	sld [smem:$0x3FFD];
	_ =	sdelay $0x3  }
0x96: {  	_ =	strace s2  }
0x97: {  	_ =	strace $0x8FFFFFFF  }
0x98: {  	s18 =	sld [smem:$0x3FDB];
	_ =	sdelay $0x1  }
0x99: {  	s19 =	simm.s32 $_scs_section_size  }
0x9a: {  	s4 =	simm.s32 $_size__tile_overlayer_lowered;
	s5 =	simm.s32 $_tile_overlayer_lowered  }
0x9b: {  	s22 =	simm.s32 $0x1BFF;
	s21 =	sshll.u32 s5, $0x1;
	s2 =	sadd.s32 s19, s18  }
0x9c: {  	s6 =	simm.s32 $0x0;
	s20 =	sshll.u32 s4, $0x1;
	s4 =	sadd.s32 s21, s2  }
0x9d: {  	[timem:s6], [sflag:s22] =	dma.local [hbm:s4], s20  }
0x9e: {  	_ =	swait.ge [sflag:s22], s20  }
0x9f: {  	s3 =	ssub.s32 $0x0, s20;
	[sflag:s22] =	ssyncset.done $0x0  }
0xa0: {  	[sflag:s22] =	ssyncadd.s32 s3;
	_ =	sdelay $0x1  }
0xa1: {  	s23 =	simm.s32 $0x1B8B  }
0xa2: {  	_ =	swait.ge [sflag:s23], $0x1  }
0xa3: {  	[sflag:s23] =	ssyncset.done $0x0  }
0xa4: {  	s25 =	simm.s32 $0x1B8E;
	s24 =	sld [smem:$0x3FFE];
	[sflag:s23] =	ssyncadd.s32 $0xFFFFFFFF  }
0xa5: {  	s26 =	simm.s32 $execute0_lowered;
	[smem:$0x3FD2] =	sst s25  }
0xa6: {  	s4 =	sshll.u32 s26, $0x1;
	_ =	strace $0x80000046;
	[dreg:$0x1] =	wrdreg $0xFFFFFFFF  }
0xa7: {  	s28 =	simm.s32 $_size_execute0_lowered;
	s2 =	sadd.s32 s2, s4;
	[dreg:$0x0] =	wrdreg $0x0  }
0xa8: {  	s4 =	sshll.u32 s28, $0x1;
	[dreg:$0x2] =	wrdreg s2  }
0xa9: {  	[dreg:$0x3] =	wrdreg s4  }
0xaa: {  	[dreg:$0x4] =	wrdreg $0xC0  }
0xab: {  	_ =	task [dreg:s6], $0x5FFFF  }
0xac: {  	[dreg:$0x1] =	wrdreg $0xFFFFFFFF  }
0xad: {  	[dreg:$0x0] =	wrdreg $0x60  }
0xae: {  	[dreg:$0x2] =	wrdreg s24  }
0xaf: {  	[dreg:$0x3] =	wrdreg $0x9  }
0xb0: {  	_ =	task.clear_ibuf [dreg:s6], $0x4FFFF;
	_ =	strace $0x90000046  }
0xb1: {  	s29 =	simm.s32 $0x9;
	_ =	strace $0x80000048  }
0xb2: {  	_ =	swait.ge [sflag:s29], $0x1  }
0xb3: {  	[sflag:s29] =	ssyncadd.s32 $0xFFFFFFFF  }
0xb4: {  	_ =	strace $0x90000048  }
0xb5: {  	_ =	sfence  }
0xb6: {  	s30 =	sld [smem:$0x0];
	_ =	sdelay $0x2  }
0xb7: {  	s31 =	sshll.u32 s1, $0xD;
	s1 =	sshrl.u32 s1, $0x2  }
0xb8: {  	s3 =	sand.u32 $0x4000, s31;
	s1 =	sadd.s32 s1, s30  }
0xb9: {  	s0 =	sor.u32 s3, s0;
	s1 =	sshll.u32 s1, $0x11  }
0xba: {  	s0 =	sor.u32 s1, s0  }
0xbb: {  	s0 =	sadd.s32 $0x8F2B, s0  }
0xbc: {  	[sflag:s0] =	ssyncadd.remote.s32 $0x1  }
0xbd: {  	_ =	sfence.sel $0xFFFF  }
0xbe: {  	[dreg:$0x0] =	wrdreg $0xFFFFFFFF;
	(pc) =	sbr.abs _section_cstart, $3  }
0xbf: {  	[dreg:$0x1] =	wrdreg $0xFFFFFFFF  }
0xc0: {  	_ =	task.clear_ibuf [dreg:s6], $0x2FFFF;
	_ =	strace $0x9FFFFFFF  }
0xc1: {  	(tm) =	ssettm $0x7FFFFFFF  }
tec
execute0_lowered:
.L_overlay_start_1:
0x0: {  	(tag) =	ssettag $0x1  }
0x1: {  	s1 =	srdreg.scid;
	s0 =	stileid.u32  }
0x2: {  	s6 =	sand.u32 $0x1, s1;
	s3 =	sshll.u32 s0, $0x1  }
0x3: {  	s3 =	sor.u32 s6, s3  }
0x4: {  	p0 =	sgt.u32 s3, $0x12  }
.Ltmp0:
0x5: {  	_ = 	snop;
	(pc) =	sbr.rel @p0 .LBB2_23-.Ltmp0, $4  }
0x6: {  	_ = 	snop  }
0x7: {  	s5 =	rddreg [dreg:$0x0];
	s2 =	simm.s32 $0x0  }
0x8: {  	[smem:$0x7FF] =	sst s2  }
0x9: {  	s1 =	rddreg [dreg:$0x1];
	_ =	strace $0x80000047  }
0xa: {  	s4 =	sshrl.u32 s0, $0x2;
	s3 =	sshll.u32 s3, $0x7;
	s10 =	ssub.s32 $0x2, s6  }
0xb: {  	s11 =	simm.s32 $0x19180;
	s12 =	simm.s32 $0x3;
	s13 =	simm.s32 $0x0  }
0xc: {  	s7 =	sand.u32 $0x380, s3;
	s26 =	sshll.u32 s4, $0x14;
	s8 =	sshll.u32 s4, $0xA  }
0xd: {  	s4 =	sadd.s32 $0x300600, s5;
	s30 =	sshrl.u32 s10, $0x1;
	s3 =	sor.u32 s26, s7  }
0xe: {  	s7 =	sor.u32 s8, s7;
	s31 =	ssub.s32 s10, s30;
	s10 =	simm.s32 $0x2  }
0xf: {  	s28 =	sshrl.u32 s3, $0x3;
	s7 =	sshrl.u32 s7, $0x3;
	s8 =	smax.u32 s31, $0x1  }
0x10: {  	v1 =	vlaneseq.u32;
	v0 =	vimm.s32 $0x0;
	v2 =	vimm.s32 $0x1;
	s9 =	sadd.s32 s28, s4;
	s29 =	sadd.s32 s7, s5;
	s7 =	sadd.s32 s4, s28  }
0x11: {  	vm0 =	vcmask $0x300;
	vm1 =	vcmask $0x704;
	v1 =	vmul.u32 $0x1011, v1;
	s5 =	sadd.s32 $0x4000, s9;
	s6 =	sadd.s32 $0x600, s29;
	s9 =	simm.s32 $0x1  }
.LBB2_2:
0x12: {  	s14 =	simm.s32 $0x40  }
0x13: {  	[tilespmem:s14+$0xFFFFFFC0] =	vst v0  }
0x14: {  	[tilespmem:s14+$0x30] =	vst v0  }
0x15: {  	[tilespmem:s14+$0x20] =	vst v0  }
0x16: {  	[tilespmem:s14+$0x10] =	vst v0  }
0x17: {  	[tilespmem:s14+$0x0] =	vst v0  }
0x18: {  	[tilespmem:s14+$0xFFFFFFF0] =	vst v0  }
0x19: {  	s15 =	simm.s32 $0x0;
	[tilespmem:s14+$0xFFFFFFE0] =	vst v0  }
.LBB2_3:
0x1a: {  	s15 =	sadd.s32 $0x8, s15;
	[tilespmem:s14+$0xFFFFFFD0] =	vst v0;
	s14 =	sadd.s32 $0x80, s14  }
0x1b: {  	[tilespmem:s14+$0xFFFFFFC0] =	vst v0;
	p0 =	slt.u32 s15, $0x1008  }
0x1c: {  	[tilespmem:s14+$0x30] =	vst v0  }
.Ltmp1:
0x1d: {  	[tilespmem:s14+$0x20] =	vst v0;
	(pc) =	sbr.rel @p0 .LBB2_3-.Ltmp1, $4  }
0x1e: {  	[tilespmem:s14+$0x10] =	vst v0  }
0x1f: {  	[tilespmem:s14+$0x0] =	vst v0  }
0x20: {  	[tilespmem:s14+$0xFFFFFFF0] =	vst v0  }
0x21: {  	[tilespmem:s14+$0xFFFFFFE0] =	vst v0  }
0x22: {  	[tilespmem:s14+$0xFFFFFFD0] =	vst v0;
	s14 =	simm.s32 $0x10180  }
0x23: {  	s15 =	simm.s32 $0x80;
	s17 =	sadd.s32 $0x0, s7;
	s16 =	simm.s32 $0x10280;
	[tilespmem:$0x10100] =	vst v0  }
.LBB2_5:
0x24: {  	[tilespmem:s14], [sflag:$0x1] =	stream.linear.gather [hbm4b:s17+s2], $0x80, $0x38;
	[tilespmem:$0x19200] =	vst v63  }
0x25: {  	s17 =	smov.u32 s15;
	s14 =	smov.u32 s16;
	p0 =	sne.s32 s15, $0x3F80  }
.Ltmp2:
0x26: {  	s15 =	sadd.s32 $0x80, s15;
	(pc) =	sbr.rel @p0 .LBB2_5-.Ltmp2, $2  }
0x27: {  	_ =	sdelay $0x2  }
0x28: {  	s16 =	sadd.s32 $0x100, s16;
	s17 =	sadd.s32 s17, s7  }
0x29: {  	[tilespmem:s14], [sflag:$0x1] =	stream.linear.gather [hbm4b:s17+s2], $0x80, $0x38;
	[tilespmem:$0x19200] =	vst v63  }
0x2a: {  	s14 =	simm.s32 $0x0;
	s15 =	simm.s32 $0x10200  }
0x2b: {  	s16 =	simm.s32 $0x80;
	s18 =	sadd.s32 $0x0, s5;
	s17 =	simm.s32 $0x10300  }
.LBB2_7:
0x2c: {  	[tilespmem:s15], [sflag:$0x2] =	stream.linear.gather [hbm4b:s18+s14], $0x80, $0x38;
	[tilespmem:$0x19200] =	vst v63  }
0x2d: {  	s18 =	smov.u32 s16;
	s15 =	smov.u32 s17;
	p0 =	sne.s32 s16, $0x3F80  }
.Ltmp3:
0x2e: {  	s16 =	sadd.s32 $0x80, s16;
	(pc) =	sbr.rel @p0 .LBB2_7-.Ltmp3, $2  }
0x2f: {  	_ =	sdelay $0x2  }
0x30: {  	s17 =	sadd.s32 $0x100, s17;
	s18 =	sadd.s32 s18, s5  }
0x31: {  	[tilespmem:s15], [sflag:$0x2] =	stream.linear.gather [hbm4b:s18+s14], $0x80, $0x38;
	[tilespmem:$0x19200] =	vst v63  }
.LBB2_9:
0x32: {  	_ =	swait.ge [sflag:s9], $0x4000  }
0x33: {  	[sflag:s9] =	ssyncset.done $0x0  }
0x34: {  	s15 =	simm.s32 $0x10280;
	[sflag:s9] =	ssyncadd.s32 $0xFFFFC000  }
0x35: {  	v9 =	vld [tilespmem:s15+$0x0]  }
0x36: {  	v3 =	vld [tilespmem:s15+$0xFFFFFF70]  }
0x37: {  	v4 =	vld [tilespmem:s15+$0xFFFFFF00]  }
0x38: {  	v7 =	vld [tilespmem:s15+$0xFFFFFF10]  }
0x39: {  	v6 =	vld [tilespmem:s15+$0xFFFFFF20]  }
0x3a: {  	v17 =	vld [tilespmem:s15+$0xFFFFFF40]  }
0x3b: {  	v5 =	vld [tilespmem:s15+$0x70]  }
0x3c: {  	v13 =	vld [tilespmem:s15+$0x30]  }
0x3d: {  	v14 =	vld [tilespmem:s15+$0x20]  }
0x3e: {  	v10 =	vld [tilespmem:s15+$0x60]  }
0x3f: {  	v11 =	vld [tilespmem:s15+$0x50];
	v8 =	vand.u32 $0xFFFF, v4  }
0x40: {  	v12 =	vld [tilespmem:s15+$0x40];
	v4 =	vshra.s32 v4, $0x10;
	v15 =	vand.u32 $0xFFFF, v5;
	v8 =	vadd.s32 v1, v8  }
0x41: {  	v16 =	vld [tilespmem:s15+$0x10];
	v20 =	vand.u32 $0xFFFF, v13;
	v22 =	vshra.s32 v13, $0x10;
	v4 =	vadd.s32 v1, v4  }
0x42: {  	v19 =	vld [tilespmem:s15+$0xFFFFFF60];
	v13 =	vand.u32 $0xFFFF, v14;
	v14 =	vshra.s32 v14, $0x10;
	v15 =	vadd.s32 v1, v15  }
0x43: {  	v21 =	vld [tilespmem:s15+$0xFFFFFF50];
	v24 =	vadd.s32 v1, v14;
	v14 =	vadd.s32 v1, v20  }
0x44: {  	v23 =	vld [tilespmem:s15+$0xFFFFFF30];
	v5 =	vshra.s32 v5, $0x10;
	v13 =	vadd.s32 v1, v13  }
0x45: {  	v18 =	vand.u32 $0xFFFF, v10;
	v5 =	vadd.s32 v1, v5;
	[tilespmem:v8+s2+$0x0] =	vst.idx.add.s32.msk $0xffff, v2  }
0x46: {  	v8 =	vand.u32 $0xFFFF, v11;
	[tilespmem:v4+s2+$0x0] =	vst.idx.add.s32.msk $0xffff, v2;
	v4 =	vadd.s32 v1, v18  }
0x47: {  	v10 =	vshra.s32 v10, $0x10;
	[tilespmem:v15+s2+$0x0] =	vst.idx.add.s32.msk $0xffff, v2;
	v15 =	vand.u32 $0xFFFF, v16;
	v8 =	vadd.s32 v1, v8  }
0x48: {  	v27 =	vand.u32 $0xFFFF, v17;
	v10 =	vadd.s32 v1, v10;
	[tilespmem:v14+s2+$0x0] =	vst.idx.add.s32.msk $0xffff, v2;
	v15 =	vadd.s32 v1, v15  }
0x49: {  	v20 =	vshra.s32 v3, $0x10;
	v11 =	vshra.s32 v11, $0x10;
	v16 =	vshra.s32 v16, $0x10;
	[tilespmem:v13+s2+$0x0] =	vst.idx.add.s32.msk $0xffff, v2  }
0x4a: {  	v13 =	vand.u32 $0xFFFF, v23;
	v18 =	vand.u32 $0xFFFF, v12;
	v11 =	vadd.s32 v1, v11;
	[tilespmem:v5+s2+$0x0] =	vst.idx.add.s32.msk $0xffff, v2  }
0x4b: {  	v12 =	vshra.s32 v12, $0x10;
	v26 =	vadd.s32 v1, v16;
	v18 =	vadd.s32 v1, v18;
	[tilespmem:v4+s2+$0x0] =	vst.idx.add.s32.msk $0xffff, v2  }
0x4c: {  	v16 =	vand.u32 $0xFFFF, v7;
	v7 =	vshra.s32 v7, $0x10;
	v13 =	vadd.s32 v1, v13;
	[tilespmem:v8+s2+$0x0] =	vst.idx.add.s32.msk $0xffff, v2  }
0x4d: {  	v12 =	vadd.s32 v1, v12;
	v7 =	vadd.s32 v1, v7;
	v4 =	vand.u32 $0xFFFF, v3;
	[tilespmem:v15+s2+$0x0] =	vst.idx.add.s32.msk $0xffff, v2  }
0x4e: {  	v3 =	vshra.s32 v19, $0x10;
	v8 =	vand.u32 $0xFFFF, v9;
	v15 =	vand.u32 $0xFFFF, v19;
	[tilespmem:v10+s2+$0x0] =	vst.idx.add.s32.msk $0xffff, v2  }
0x4f: {  	v25 =	vadd.s32 v1, v4;
	v4 =	vand.u32 $0xFFFF, v21;
	v3 =	vadd.s32 v1, v3;
	[tilespmem:v11+s2+$0x0] =	vst.idx.add.s32.msk $0xffff, v2  }
0x50: {  	v11 =	vand.u32 $0xFFFF, v6;
	[tilespmem:v18+s2+$0x0] =	vst.idx.add.s32.msk $0xffff, v2;
	v18 =	vshra.s32 v6, $0x10;
	v10 =	vadd.s32 v1, v20  }
0x51: {  	v6 =	vadd.s32 v1, v16;
	v14 =	vadd.s32 v1, v8;
	v16 =	vadd.s32 v1, v15  }
0x52: {  	[tilespmem:v24+s2+$0x0] =	vst.idx.add.s32.msk $0xffff, v2;
	v15 =	vadd.s32 v1, v27;
	v5 =	vadd.s32 v1, v4;
	v4 =	vshra.s32 v23, $0x10  }
0x53: {  	[tilespmem:v12+s2+$0x0] =	vst.idx.add.s32.msk $0xffff, v2;
	v12 =	vshra.s32 v21, $0x10;
	v8 =	vadd.s32 v1, v18;
	v11 =	vadd.s32 v1, v11  }
0x54: {  	[tilespmem:v26+s2+$0x0] =	vst.idx.add.s32.msk $0xffff, v2;
	v18 =	vshra.s32 v9, $0x10;
	v4 =	vadd.s32 v1, v4;
	v12 =	vadd.s32 v1, v12  }
0x55: {  	s16 =	simm.s32 $0x0;
	v9 =	vshra.s32 v17, $0x10;
	v17 =	vadd.s32 v1, v18;
	v18 =	vadd.s32 v1, v22;
	[tilespmem:v25+s2+$0x0] =	vst.idx.add.s32.msk $0xffff, v2  }
.LBB2_10:
0x56: {  	s16 =	sadd.s32 $0x10, s16;
	[tilespmem:v14+s2+$0x0] =	vst.idx.add.s32.msk $0xffff, v2;
	s15 =	sadd.s32 $0x200, s15  }
0x57: {  	p0 =	slt.u32 s16, $0x3F0;
	[tilespmem:v5+s2+$0x0] =	vst.idx.add.s32.msk $0xffff, v2  }
0x58: {  	v5 =	vadd.s32 v1, v9;
	[tilespmem:v10+s2+$0x0] =	vst.idx.add.s32.msk $0xffff, v2  }
0x59: {  	[tilespmem:v16+s2+$0x0] =	vst.idx.add.s32.msk $0xffff, v2  }
0x5a: {  	[tilespmem:v17+s2+$0x0] =	vst.idx.add.s32.msk $0xffff, v2  }
0x5b: {  	[tilespmem:v18+s2+$0x0] =	vst.idx.add.s32.msk $0xffff, v2  }
0x5c: {  	[tilespmem:v12+s2+$0x0] =	vst.idx.add.s32.msk $0xffff, v2  }
0x5d: {  	[tilespmem:v15+s2+$0x0] =	vst.idx.add.s32.msk $0xffff, v2  }
0x5e: {  	[tilespmem:v3+s2+$0x0] =	vst.idx.add.s32.msk $0xffff, v2  }
0x5f: {  	[tilespmem:v11+s2+$0x0] =	vst.idx.add.s32.msk $0xffff, v2  }
0x60: {  	[tilespmem:v13+s2+$0x0] =	vst.idx.add.s32.msk $0xffff, v2  }
0x61: {  	[tilespmem:v6+s2+$0x0] =	vst.idx.add.s32.msk $0xffff, v2  }
0x62: {  	[tilespmem:v5+s2+$0x0] =	vst.idx.add.s32.msk $0xffff, v2  }
0x63: {  	[tilespmem:v4+s2+$0x0] =	vst.idx.add.s32.msk $0xffff, v2  }
0x64: {  	[tilespmem:v7+s2+$0x0] =	vst.idx.add.s32.msk $0xffff, v2  }
0x65: {  	[tilespmem:v8+s2+$0x0] =	vst.idx.add.s32.msk $0xffff, v2  }
0x66: {  	v6 =	vld [tilespmem:s15+$0x0]  }
0x67: {  	v3 =	vld [tilespmem:s15+$0xFFFFFF70]  }
0x68: {  	v4 =	vld [tilespmem:s15+$0xFFFFFF00]  }
0x69: {  	v7 =	vld [tilespmem:s15+$0xFFFFFF10]  }
0x6a: {  	v8 =	vld [tilespmem:s15+$0xFFFFFF20]  }
0x6b: {  	v10 =	vld [tilespmem:s15+$0xFFFFFF40]  }
0x6c: {  	v5 =	vld [tilespmem:s15+$0x70]  }
0x6d: {  	v9 =	vand.u32 $0xFFFF, v4;
	v4 =	vshra.s32 v4, $0x10;
	v11 =	vld [tilespmem:s15+$0x60]  }
0x6e: {  	v9 =	vadd.s32 v1, v9;
	v12 =	vld [tilespmem:s15+$0x50]  }
0x6f: {  	v4 =	vadd.s32 v1, v4;
	v13 =	vld [tilespmem:s15+$0x40]  }
0x70: {  	v14 =	vld [tilespmem:s15+$0x30]  }
0x71: {  	v15 =	vld [tilespmem:s15+$0x20];
	v16 =	vand.u32 $0xFFFF, v5;
	v5 =	vshra.s32 v5, $0x10  }
0x72: {  	v17 =	vld [tilespmem:s15+$0x10];
	v18 =	vand.u32 $0xFFFF, v11;
	v11 =	vshra.s32 v11, $0x10;
	v16 =	vadd.s32 v1, v16  }
0x73: {  	[tilespmem:v9+s2+$0x0] =	vst.idx.add.s32.msk $0xffff, v2;
	v9 =	vand.u32 $0xFFFF, v12;
	v12 =	vshra.s32 v12, $0x10;
	v11 =	vadd.s32 v1, v11  }
0x74: {  	v18 =	vadd.s32 v1, v18;
	[tilespmem:v4+s2+$0x0] =	vst.idx.add.s32.msk $0xffff, v2;
	v4 =	vand.u32 $0xFFFF, v13;
	v13 =	vshra.s32 v13, $0x10  }
0x75: {  	v5 =	vadd.s32 v1, v5;
	v19 =	vld [tilespmem:s15+$0xFFFFFF60];
	v20 =	vand.u32 $0xFFFF, v14;
	v21 =	vshra.s32 v14, $0x10  }
0x76: {  	v9 =	vadd.s32 v1, v9;
	v22 =	vld [tilespmem:s15+$0xFFFFFF50];
	v14 =	vand.u32 $0xFFFF, v15;
	v15 =	vshra.s32 v15, $0x10  }
0x77: {  	v13 =	vadd.s32 v1, v13;
	v23 =	vand.u32 $0xFFFF, v17;
	v17 =	vshra.s32 v17, $0x10;
	[tilespmem:v16+s2+$0x0] =	vst.idx.add.s32.msk $0xffff, v2  }
0x78: {  	v12 =	vadd.s32 v1, v12;
	v24 =	vadd.s32 v1, v15;
	v16 =	vld [tilespmem:s15+$0xFFFFFF30];
	v23 =	vadd.s32 v1, v23  }
0x79: {  	v25 =	vshra.s32 v3, $0x10;
	v26 =	vadd.s32 v1, v4;
	v15 =	vand.u32 $0xFFFF, v3;
	[tilespmem:v18+s2+$0x0] =	vst.idx.add.s32.msk $0xffff, v2  }
0x7a: {  	v18 =	vadd.s32 v1, v15;
	v15 =	vadd.s32 v1, v20;
	v3 =	vshra.s32 v19, $0x10;
	[tilespmem:v5+s2+$0x0] =	vst.idx.add.s32.msk $0xffff, v2  }
0x7b: {  	v20 =	vadd.s32 v1, v14;
	v4 =	vand.u32 $0xFFFF, v22;
	v3 =	vadd.s32 v1, v3;
	[tilespmem:v9+s2+$0x0] =	vst.idx.add.s32.msk $0xffff, v2  }
0x7c: {  	v17 =	vadd.s32 v1, v17;
	v9 =	vshra.s32 v10, $0x10;
	v5 =	vadd.s32 v1, v4;
	[tilespmem:v11+s2+$0x0] =	vst.idx.add.s32.msk $0xffff, v2  }
0x7d: {  	v28 =	vshra.s32 v6, $0x10;
	v27 =	vand.u32 $0xFFFF, v10;
	v4 =	vshra.s32 v16, $0x10;
	[tilespmem:v12+s2+$0x0] =	vst.idx.add.s32.msk $0xffff, v2  }
0x7e: {  	v11 =	vand.u32 $0xFFFF, v8;
	v12 =	vand.u32 $0xFFFF, v6;
	v4 =	vadd.s32 v1, v4;
	[tilespmem:v26+s2+$0x0] =	vst.idx.add.s32.msk $0xffff, v2  }
0x7f: {  	v10 =	vadd.s32 v1, v25;
	v8 =	vshra.s32 v8, $0x10;
	v6 =	vand.u32 $0xFFFF, v7;
	[tilespmem:v15+s2+$0x0] =	vst.idx.add.s32.msk $0xffff, v2  }
0x80: {  	v7 =	vshra.s32 v7, $0x10;
	v6 =	vadd.s32 v1, v6;
	v14 =	vadd.s32 v1, v12;
	[tilespmem:v13+s2+$0x0] =	vst.idx.add.s32.msk $0xffff, v2  }
.Ltmp4:
0x81: {  	v7 =	vadd.s32 v1, v7;
	v12 =	vshra.s32 v22, $0x10;
	v13 =	vand.u32 $0xFFFF, v16;
	[tilespmem:v23+s2+$0x0] =	vst.idx.add.s32.msk $0xffff, v2;
	(pc) =	sbr.rel @p0 .LBB2_10-.Ltmp4, $4  }
0x82: {  	v8 =	vadd.s32 v1, v8;
	v12 =	vadd.s32 v1, v12;
	v15 =	vand.u32 $0xFFFF, v19;
	[tilespmem:v20+s2+$0x0] =	vst.idx.add.s32.msk $0xffff, v2  }
0x83: {  	v11 =	vadd.s32 v1, v11;
	v16 =	vadd.s32 v1, v15;
	[tilespmem:v17+s2+$0x0] =	vst.idx.add.s32.msk $0xffff, v2  }
0x84: {  	v15 =	vadd.s32 v1, v27;
	v13 =	vadd.s32 v1, v13;
	[tilespmem:v18+s2+$0x0] =	vst.idx.add.s32.msk $0xffff, v2  }
0x85: {  	v17 =	vadd.s32 v1, v28;
	v18 =	vadd.s32 v1, v21;
	[tilespmem:v24+s2+$0x0] =	vst.idx.add.s32.msk $0xffff, v2  }
0x86: {  	_ =	sdelay $0x3  }
0x87: {  	[tilespmem:v14+s2+$0x0] =	vst.idx.add.s32.msk $0xffff, v2  }
0x88: {  	[tilespmem:v5+s2+$0x0] =	vst.idx.add.s32.msk $0xffff, v2  }
0x89: {  	[tilespmem:v10+s2+$0x0] =	vst.idx.add.s32.msk $0xffff, v2  }
0x8a: {  	[tilespmem:v16+s2+$0x0] =	vst.idx.add.s32.msk $0xffff, v2  }
0x8b: {  	[tilespmem:v18+s2+$0x0] =	vst.idx.add.s32.msk $0xffff, v2  }
0x8c: {  	[tilespmem:v15+s2+$0x0] =	vst.idx.add.s32.msk $0xffff, v2  }
0x8d: {  	[tilespmem:v11+s2+$0x0] =	vst.idx.add.s32.msk $0xffff, v2  }
0x8e: {  	[tilespmem:v13+s2+$0x0] =	vst.idx.add.s32.msk $0xffff, v2  }
0x8f: {  	[tilespmem:v6+s2+$0x0] =	vst.idx.add.s32.msk $0xffff, v2  }
0x90: {  	[tilespmem:v17+s2+$0x0] =	vst.idx.add.s32.msk $0xffff, v2  }
0x91: {  	v63 =	vadd.s32 v1, v9;
	p0 =	seq.s32 s14, $0xF;
	[tilespmem:v12+s2+$0x0] =	vst.idx.add.s32.msk $0xffff, v2  }
.Ltmp5:
0x92: {  	[tilespmem:v3+s2+$0x0] =	vst.idx.add.s32.msk $0xffff, v2;
	(pc) =	sbr.rel @p0 .LBB2_15-.Ltmp5, $4  }
0x93: {  	[tilespmem:v4+s2+$0x0] =	vst.idx.add.s32.msk $0xffff, v2  }
0x94: {  	[tilespmem:v7+s2+$0x0] =	vst.idx.add.s32.msk $0xffff, v2  }
0x95: {  	[tilespmem:v8+s2+$0x0] =	vst.idx.add.s32.msk $0xffff, v2  }
0x96: {  	s15 =	sshll.u32 s14, $0x1;
	[tilespmem:v63+s2+$0x0] =	vst.idx.add.s32.msk $0xffff, v2  }
0x97: {  	s16 =	sadd.s32 $0x2, s15  }
0x98: {  	s17 =	sshrl.u32 s16, $0x3  }
0x99: {  	s16 =	sshll.u32 s16, $0x11;
	s18 =	smul.u32 $0x300000, s17  }
0x9a: {  	s16 =	sadd.s32 s16, s3  }
0x9b: {  	s17 =	sshll.u32 s17, $0x14;
	s16 =	sadd.s32 s18, s16  }
0x9c: {  	s16 =	ssub.s32 s16, s17  }
0x9d: {  	s16 =	sshrl.u32 s16, $0x3  }
0x9e: {  	s19 =	simm.s32 $0x10280;
	s16 =	sadd.s32 s4, s16  }
0x9f: {  	s18 =	simm.s32 $0x80;
	s17 =	simm.s32 $0x10180;
	s20 =	sadd.s32 $0x0, s16  }
.LBB2_13:
0xa0: {  	[tilespmem:s17], [sflag:$0x1] =	stream.linear.gather [hbm4b:s20+s2], $0x80, $0x38;
	[tilespmem:$0x19200] =	vst v63  }
0xa1: {  	s20 =	smov.u32 s18;
	s17 =	smov.u32 s19;
	p1 =	sne.s32 s18, $0x3F80  }
.Ltmp6:
0xa2: {  	s18 =	sadd.s32 $0x80, s18;
	(pc) =	sbr.rel @p1 .LBB2_13-.Ltmp6, $2  }
0xa3: {  	_ =	sdelay $0x2  }
0xa4: {  	s19 =	sadd.s32 $0x100, s19;
	s20 =	sadd.s32 s20, s16  }
0xa5: {  	[tilespmem:s17], [sflag:$0x1] =	stream.linear.gather [hbm4b:s20+s2], $0x80, $0x38;
	[tilespmem:$0x19200] =	vst v63  }
.LBB2_15:
0xa6: {  	_ =	swait.ge [sflag:s10], $0x4000  }
0xa7: {  	[sflag:s10] =	ssyncset.done $0x0  }
0xa8: {  	s16 =	simm.s32 $0x10300;
	[sflag:s10] =	ssyncadd.s32 $0xFFFFC000  }
0xa9: {  	v9 =	vld [tilespmem:s16+$0x0]  }
0xaa: {  	v3 =	vld [tilespmem:s16+$0xFFFFFF70]  }
0xab: {  	v4 =	vld [tilespmem:s16+$0xFFFFFF00]  }
0xac: {  	v7 =	vld [tilespmem:s16+$0xFFFFFF10]  }
0xad: {  	v6 =	vld [tilespmem:s16+$0xFFFFFF20]  }
0xae: {  	v17 =	vld [tilespmem:s16+$0xFFFFFF40]  }
0xaf: {  	v5 =	vld [tilespmem:s16+$0x70]  }
0xb0: {  	v13 =	vld [tilespmem:s16+$0x30]  }
0xb1: {  	v14 =	vld [tilespmem:s16+$0x20]  }
0xb2: {  	v10 =	vld [tilespmem:s16+$0x60]  }
0xb3: {  	v11 =	vld [tilespmem:s16+$0x50];
	v8 =	vand.u32 $0xFFFF, v4  }
0xb4: {  	v12 =	vld [tilespmem:s16+$0x40];
	v4 =	vshra.s32 v4, $0x10;
	v15 =	vand.u32 $0xFFFF, v5;
	v8 =	vadd.s32 v1, v8  }
0xb5: {  	v16 =	vld [tilespmem:s16+$0x10];
	v20 =	vand.u32 $0xFFFF, v13;
	v22 =	vshra.s32 v13, $0x10;
	v4 =	vadd.s32 v1, v4  }
0xb6: {  	v19 =	vld [tilespmem:s16+$0xFFFFFF60];
	v13 =	vand.u32 $0xFFFF, v14;
	v14 =	vshra.s32 v14, $0x10;
	v15 =	vadd.s32 v1, v15  }
0xb7: {  	v21 =	vld [tilespmem:s16+$0xFFFFFF50];
	v24 =	vadd.s32 v1, v14;
	v14 =	vadd.s32 v1, v20  }
0xb8: {  	v23 =	vld [tilespmem:s16+$0xFFFFFF30];
	v5 =	vshra.s32 v5, $0x10;
	v13 =	vadd.s32 v1, v13  }
0xb9: {  	v18 =	vand.u32 $0xFFFF, v10;
	v5 =	vadd.s32 v1, v5;
	[tilespmem:v8+s2+$0x0] =	vst.idx.add.s32.msk $0xffff, v2  }
0xba: {  	v8 =	vand.u32 $0xFFFF, v11;
	[tilespmem:v4+s2+$0x0] =	vst.idx.add.s32.msk $0xffff, v2;
	v4 =	vadd.s32 v1, v18  }
0xbb: {  	v10 =	vshra.s32 v10, $0x10;
	[tilespmem:v15+s2+$0x0] =	vst.idx.add.s32.msk $0xffff, v2;
	v15 =	vand.u32 $0xFFFF, v16;
	v8 =	vadd.s32 v1, v8  }
0xbc: {  	v27 =	vand.u32 $0xFFFF, v17;
	v10 =	vadd.s32 v1, v10;
	[tilespmem:v14+s2+$0x0] =	vst.idx.add.s32.msk $0xffff, v2;
	v15 =	vadd.s32 v1, v15  }
0xbd: {  	v20 =	vshra.s32 v3, $0x10;
	v11 =	vshra.s32 v11, $0x10;
	v16 =	vshra.s32 v16, $0x10;
	[tilespmem:v13+s2+$0x0] =	vst.idx.add.s32.msk $0xffff, v2  }
0xbe: {  	v13 =	vand.u32 $0xFFFF, v23;
	v18 =	vand.u32 $0xFFFF, v12;
	v11 =	vadd.s32 v1, v11;
	[tilespmem:v5+s2+$0x0] =	vst.idx.add.s32.msk $0xffff, v2  }
0xbf: {  	v12 =	vshra.s32 v12, $0x10;
	v26 =	vadd.s32 v1, v16;
	v18 =	vadd.s32 v1, v18;
	[tilespmem:v4+s2+$0x0] =	vst.idx.add.s32.msk $0xffff, v2  }
0xc0: {  	v16 =	vand.u32 $0xFFFF, v7;
	v7 =	vshra.s32 v7, $0x10;
	v13 =	vadd.s32 v1, v13;
	[tilespmem:v8+s2+$0x0] =	vst.idx.add.s32.msk $0xffff, v2  }
0xc1: {  	v12 =	vadd.s32 v1, v12;
	v7 =	vadd.s32 v1, v7;
	v4 =	vand.u32 $0xFFFF, v3;
	[tilespmem:v15+s2+$0x0] =	vst.idx.add.s32.msk $0xffff, v2  }
0xc2: {  	v3 =	vshra.s32 v19, $0x10;
	v8 =	vand.u32 $0xFFFF, v9;
	v15 =	vand.u32 $0xFFFF, v19;
	[tilespmem:v10+s2+$0x0] =	vst.idx.add.s32.msk $0xffff, v2  }
0xc3: {  	v25 =	vadd.s32 v1, v4;
	v4 =	vand.u32 $0xFFFF, v21;
	v3 =	vadd.s32 v1, v3;
	[tilespmem:v11+s2+$0x0] =	vst.idx.add.s32.msk $0xffff, v2  }
0xc4: {  	v11 =	vand.u32 $0xFFFF, v6;
	[tilespmem:v18+s2+$0x0] =	vst.idx.add.s32.msk $0xffff, v2;
	v18 =	vshra.s32 v6, $0x10;
	v10 =	vadd.s32 v1, v20  }
0xc5: {  	v6 =	vadd.s32 v1, v16;
	v14 =	vadd.s32 v1, v8;
	v16 =	vadd.s32 v1, v15  }
0xc6: {  	[tilespmem:v24+s2+$0x0] =	vst.idx.add.s32.msk $0xffff, v2;
	v15 =	vadd.s32 v1, v27;
	v5 =	vadd.s32 v1, v4;
	v4 =	vshra.s32 v23, $0x10  }
0xc7: {  	[tilespmem:v12+s2+$0x0] =	vst.idx.add.s32.msk $0xffff, v2;
	v12 =	vshra.s32 v21, $0x10;
	v8 =	vadd.s32 v1, v18;
	v11 =	vadd.s32 v1, v11  }
0xc8: {  	[tilespmem:v26+s2+$0x0] =	vst.idx.add.s32.msk $0xffff, v2;
	v18 =	vshra.s32 v9, $0x10;
	v4 =	vadd.s32 v1, v4;
	v12 =	vadd.s32 v1, v12  }
0xc9: {  	s17 =	simm.s32 $0x0;
	v9 =	vshra.s32 v17, $0x10;
	v17 =	vadd.s32 v1, v18;
	v18 =	vadd.s32 v1, v22;
	[tilespmem:v25+s2+$0x0] =	vst.idx.add.s32.msk $0xffff, v2  }
.LBB2_16:
0xca: {  	s17 =	sadd.s32 $0x10, s17;
	[tilespmem:v14+s2+$0x0] =	vst.idx.add.s32.msk $0xffff, v2;
	s16 =	sadd.s32 $0x200, s16  }
0xcb: {  	p1 =	slt.u32 s17, $0x3F0;
	[tilespmem:v5+s2+$0x0] =	vst.idx.add.s32.msk $0xffff, v2  }
0xcc: {  	v5 =	vadd.s32 v1, v9;
	[tilespmem:v10+s2+$0x0] =	vst.idx.add.s32.msk $0xffff, v2  }
0xcd: {  	[tilespmem:v16+s2+$0x0] =	vst.idx.add.s32.msk $0xffff, v2  }
0xce: {  	[tilespmem:v17+s2+$0x0] =	vst.idx.add.s32.msk $0xffff, v2  }
0xcf: {  	[tilespmem:v18+s2+$0x0] =	vst.idx.add.s32.msk $0xffff, v2  }
0xd0: {  	[tilespmem:v12+s2+$0x0] =	vst.idx.add.s32.msk $0xffff, v2  }
0xd1: {  	[tilespmem:v15+s2+$0x0] =	vst.idx.add.s32.msk $0xffff, v2  }
0xd2: {  	[tilespmem:v3+s2+$0x0] =	vst.idx.add.s32.msk $0xffff, v2  }
0xd3: {  	[tilespmem:v11+s2+$0x0] =	vst.idx.add.s32.msk $0xffff, v2  }
0xd4: {  	[tilespmem:v13+s2+$0x0] =	vst.idx.add.s32.msk $0xffff, v2  }
0xd5: {  	[tilespmem:v6+s2+$0x0] =	vst.idx.add.s32.msk $0xffff, v2  }
0xd6: {  	[tilespmem:v5+s2+$0x0] =	vst.idx.add.s32.msk $0xffff, v2  }
0xd7: {  	[tilespmem:v4+s2+$0x0] =	vst.idx.add.s32.msk $0xffff, v2  }
0xd8: {  	[tilespmem:v7+s2+$0x0] =	vst.idx.add.s32.msk $0xffff, v2  }
0xd9: {  	[tilespmem:v8+s2+$0x0] =	vst.idx.add.s32.msk $0xffff, v2  }
0xda: {  	v6 =	vld [tilespmem:s16+$0x0]  }
0xdb: {  	v3 =	vld [tilespmem:s16+$0xFFFFFF70]  }
0xdc: {  	v4 =	vld [tilespmem:s16+$0xFFFFFF00]  }
0xdd: {  	v7 =	vld [tilespmem:s16+$0xFFFFFF10]  }
0xde: {  	v8 =	vld [tilespmem:s16+$0xFFFFFF20]  }
0xdf: {  	v10 =	vld [tilespmem:s16+$0xFFFFFF40]  }
0xe0: {  	v5 =	vld [tilespmem:s16+$0x70]  }
0xe1: {  	v9 =	vand.u32 $0xFFFF, v4;
	v4 =	vshra.s32 v4, $0x10;
	v11 =	vld [tilespmem:s16+$0x60]  }
0xe2: {  	v9 =	vadd.s32 v1, v9;
	v12 =	vld [tilespmem:s16+$0x50]  }
0xe3: {  	v4 =	vadd.s32 v1, v4;
	v13 =	vld [tilespmem:s16+$0x40]  }
0xe4: {  	v14 =	vld [tilespmem:s16+$0x30]  }
0xe5: {  	v15 =	vld [tilespmem:s16+$0x20];
	v16 =	vand.u32 $0xFFFF, v5;
	v5 =	vshra.s32 v5, $0x10  }
0xe6: {  	v17 =	vld [tilespmem:s16+$0x10];
	v18 =	vand.u32 $0xFFFF, v11;
	v11 =	vshra.s32 v11, $0x10;
	v16 =	vadd.s32 v1, v16  }
0xe7: {  	[tilespmem:v9+s2+$0x0] =	vst.idx.add.s32.msk $0xffff, v2;
	v9 =	vand.u32 $0xFFFF, v12;
	v12 =	vshra.s32 v12, $0x10;
	v11 =	vadd.s32 v1, v11  }
0xe8: {  	v18 =	vadd.s32 v1, v18;
	[tilespmem:v4+s2+$0x0] =	vst.idx.add.s32.msk $0xffff, v2;
	v4 =	vand.u32 $0xFFFF, v13;
	v13 =	vshra.s32 v13, $0x10  }
0xe9: {  	v5 =	vadd.s32 v1, v5;
	v19 =	vld [tilespmem:s16+$0xFFFFFF60];
	v20 =	vand.u32 $0xFFFF, v14;
	v21 =	vshra.s32 v14, $0x10  }
0xea: {  	v9 =	vadd.s32 v1, v9;
	v22 =	vld [tilespmem:s16+$0xFFFFFF50];
	v14 =	vand.u32 $0xFFFF, v15;
	v15 =	vshra.s32 v15, $0x10  }
0xeb: {  	v13 =	vadd.s32 v1, v13;
	v23 =	vand.u32 $0xFFFF, v17;
	v17 =	vshra.s32 v17, $0x10;
	[tilespmem:v16+s2+$0x0] =	vst.idx.add.s32.msk $0xffff, v2  }
0xec: {  	v12 =	vadd.s32 v1, v12;
	v24 =	vadd.s32 v1, v15;
	v16 =	vld [tilespmem:s16+$0xFFFFFF30];
	v23 =	vadd.s32 v1, v23  }
0xed: {  	v25 =	vshra.s32 v3, $0x10;
	v26 =	vadd.s32 v1, v4;
	v15 =	vand.u32 $0xFFFF, v3;
	[tilespmem:v18+s2+$0x0] =	vst.idx.add.s32.msk $0xffff, v2  }
0xee: {  	v18 =	vadd.s32 v1, v15;
	v15 =	vadd.s32 v1, v20;
	v3 =	vshra.s32 v19, $0x10;
	[tilespmem:v5+s2+$0x0] =	vst.idx.add.s32.msk $0xffff, v2  }
0xef: {  	v20 =	vadd.s32 v1, v14;
	v4 =	vand.u32 $0xFFFF, v22;
	v3 =	vadd.s32 v1, v3;
	[tilespmem:v9+s2+$0x0] =	vst.idx.add.s32.msk $0xffff, v2  }
0xf0: {  	v17 =	vadd.s32 v1, v17;
	v9 =	vshra.s32 v10, $0x10;
	v5 =	vadd.s32 v1, v4;
	[tilespmem:v11+s2+$0x0] =	vst.idx.add.s32.msk $0xffff, v2  }
0xf1: {  	v28 =	vshra.s32 v6, $0x10;
	v27 =	vand.u32 $0xFFFF, v10;
	v4 =	vshra.s32 v16, $0x10;
	[tilespmem:v12+s2+$0x0] =	vst.idx.add.s32.msk $0xffff, v2  }
0xf2: {  	v11 =	vand.u32 $0xFFFF, v8;
	v12 =	vand.u32 $0xFFFF, v6;
	v4 =	vadd.s32 v1, v4;
	[tilespmem:v26+s2+$0x0] =	vst.idx.add.s32.msk $0xffff, v2  }
0xf3: {  	v10 =	vadd.s32 v1, v25;
	v8 =	vshra.s32 v8, $0x10;
	v6 =	vand.u32 $0xFFFF, v7;
	[tilespmem:v15+s2+$0x0] =	vst.idx.add.s32.msk $0xffff, v2  }
0xf4: {  	v7 =	vshra.s32 v7, $0x10;
	v6 =	vadd.s32 v1, v6;
	v14 =	vadd.s32 v1, v12;
	[tilespmem:v13+s2+$0x0] =	vst.idx.add.s32.msk $0xffff, v2  }
.Ltmp7:
0xf5: {  	v7 =	vadd.s32 v1, v7;
	v12 =	vshra.s32 v22, $0x10;
	v13 =	vand.u32 $0xFFFF, v16;
	[tilespmem:v23+s2+$0x0] =	vst.idx.add.s32.msk $0xffff, v2;
	(pc) =	sbr.rel @p1 .LBB2_16-.Ltmp7, $4  }
0xf6: {  	v8 =	vadd.s32 v1, v8;
	v12 =	vadd.s32 v1, v12;
	v15 =	vand.u32 $0xFFFF, v19;
	[tilespmem:v20+s2+$0x0] =	vst.idx.add.s32.msk $0xffff, v2  }
0xf7: {  	v11 =	vadd.s32 v1, v11;
	v16 =	vadd.s32 v1, v15;
	[tilespmem:v17+s2+$0x0] =	vst.idx.add.s32.msk $0xffff, v2  }
0xf8: {  	v15 =	vadd.s32 v1, v27;
	v13 =	vadd.s32 v1, v13;
	[tilespmem:v18+s2+$0x0] =	vst.idx.add.s32.msk $0xffff, v2  }
0xf9: {  	v17 =	vadd.s32 v1, v28;
	v18 =	vadd.s32 v1, v21;
	[tilespmem:v24+s2+$0x0] =	vst.idx.add.s32.msk $0xffff, v2  }
0xfa: {  	_ =	sdelay $0x3  }
0xfb: {  	[tilespmem:v14+s2+$0x0] =	vst.idx.add.s32.msk $0xffff, v2  }
0xfc: {  	[tilespmem:v5+s2+$0x0] =	vst.idx.add.s32.msk $0xffff, v2  }
0xfd: {  	[tilespmem:v10+s2+$0x0] =	vst.idx.add.s32.msk $0xffff, v2  }
0xfe: {  	[tilespmem:v16+s2+$0x0] =	vst.idx.add.s32.msk $0xffff, v2  }
0xff: {  	[tilespmem:v18+s2+$0x0] =	vst.idx.add.s32.msk $0xffff, v2  }
0x100: {  	[tilespmem:v15+s2+$0x0] =	vst.idx.add.s32.msk $0xffff, v2  }
0x101: {  	[tilespmem:v11+s2+$0x0] =	vst.idx.add.s32.msk $0xffff, v2  }
0x102: {  	[tilespmem:v13+s2+$0x0] =	vst.idx.add.s32.msk $0xffff, v2  }
0x103: {  	[tilespmem:v6+s2+$0x0] =	vst.idx.add.s32.msk $0xffff, v2  }
0x104: {  	[tilespmem:v17+s2+$0x0] =	vst.idx.add.s32.msk $0xffff, v2  }
0x105: {  	v63 =	vadd.s32 v1, v9;
	[tilespmem:v12+s2+$0x0] =	vst.idx.add.s32.msk $0xffff, v2  }
.Ltmp8:
0x106: {  	[tilespmem:v3+s2+$0x0] =	vst.idx.add.s32.msk $0xffff, v2;
	(pc) =	sbr.rel @p0 .LBB2_18-.Ltmp8, $4  }
0x107: {  	[tilespmem:v4+s2+$0x0] =	vst.idx.add.s32.msk $0xffff, v2  }
0x108: {  	[tilespmem:v7+s2+$0x0] =	vst.idx.add.s32.msk $0xffff, v2  }
0x109: {  	[tilespmem:v8+s2+$0x0] =	vst.idx.add.s32.msk $0xffff, v2  }
0x10a: {  	[tilespmem:v63+s2+$0x0] =	vst.idx.add.s32.msk $0xffff, v2  }
0x10b: {  	s15 =	sadd.s32 $0x3, s15  }
0x10c: {  	s16 =	sshrl.u32 s15, $0x3  }
0x10d: {  	s15 =	sshll.u32 s15, $0x11;
	s17 =	smul.u32 $0x300000, s16  }
0x10e: {  	s15 =	sadd.s32 s15, s3  }
0x10f: {  	s16 =	sshll.u32 s16, $0x14;
	s15 =	sadd.s32 s17, s15  }
0x110: {  	s15 =	ssub.s32 s15, s16  }
0x111: {  	s15 =	sshrl.u32 s15, $0x3  }
0x112: {  	s18 =	simm.s32 $0x10300;
	s15 =	sadd.s32 s4, s15  }
0x113: {  	s17 =	simm.s32 $0x80;
	s16 =	simm.s32 $0x10200;
	s19 =	sadd.s32 $0x0, s15  }
.LBB2_25:
0x114: {  	[tilespmem:s16], [sflag:$0x2] =	stream.linear.gather [hbm4b:s19+s2], $0x80, $0x38;
	[tilespmem:$0x19200] =	vst v63  }
0x115: {  	s19 =	smov.u32 s17;
	s16 =	smov.u32 s18;
	p0 =	sne.s32 s17, $0x3F80  }
.Ltmp9:
0x116: {  	s17 =	sadd.s32 $0x80, s17;
	(pc) =	sbr.rel @p0 .LBB2_25-.Ltmp9, $2  }
0x117: {  	_ =	sdelay $0x2  }
0x118: {  	s18 =	sadd.s32 $0x100, s18;
	s19 =	sadd.s32 s19, s15  }
.Ltmp10:
0x119: {  	(pc) =	sbr.rel .LBB2_9-.Ltmp10, $3  }
0x11a: {  	_ =	sdelay $0x1  }
0x11b: {  	[tilespmem:s16], [sflag:$0x2] =	stream.linear.gather [hbm4b:s19+s2], $0x80, $0x38;
	[tilespmem:$0x19200] =	vst v63  }
0x11c: {  	s14 =	sadd.s32 $0x1, s14  }
.LBB2_18:
0x11d: {  	s14 =	simm.s32 $0x0  }
0x11e: {  	v4 =	vld [tilespmem:s14+$0xF8FF]  }
0x11f: {  	v5 =	vld [tilespmem:s14+$0xE8EE]  }
0x120: {  	v6 =	vld [tilespmem:s14+$0xD8DD]  }
0x121: {  	v7 =	vld [tilespmem:s14+$0xC8CC]  }
0x122: {  	v8 =	vld [tilespmem:s14+$0xB8BB]  }
0x123: {  	v9 =	vld [tilespmem:s14+$0xA8AA]  }
0x124: {  	v10 =	vld [tilespmem:s14+$0x9899]  }
0x125: {  	v11 =	vld [tilespmem:s14+$0x8888]  }
0x126: {  	v12 =	vld [tilespmem:s14+$0x7877]  }
0x127: {  	v13 =	vld [tilespmem:s14+$0x6866]  }
0x128: {  	v14 =	vld [tilespmem:s14+$0x5855]  }
0x129: {  	v15 =	vld [tilespmem:s14+$0x4844]  }
0x12a: {  	v16 =	vld [tilespmem:s14+$0x3833]  }
0x12b: {  	v17 =	vld [tilespmem:s14+$0x2822]  }
0x12c: {  	v19 =	vld [tilespmem:s14+$0x1811]  }
0x12d: {  	v20 =	vld [tilespmem:s14+$0x810]  }
0x12e: {  	v21 =	vld [tilespmem:s14+$0x1821]  }
0x12f: {  	v22 =	vld [tilespmem:s14+$0x2832]  }
0x130: {  	v23 =	vld [tilespmem:s14+$0x3843]  }
0x131: {  	v24 =	vld [tilespmem:s14+$0x4854]  }
0x132: {  	v25 =	vld [tilespmem:s14+$0x5865]  }
0x133: {  	v47 =	vld [tilespmem:s14+$0x6876]  }
0x134: {  	v49 =	vld [tilespmem:s14+$0x7887]  }
0x135: {  	s15 =	simm.s32 $0x0;
	v51 =	vld [tilespmem:s14+$0x8898]  }
0x136: {  	s16 =	sand.u32 $0x7E0, s15;
	v53 =	vld [tilespmem:s14+$0x98A9]  }
0x137: {  	v18 =	vld [tilespmem:s16+$0x800]  }
0x138: {  	v54 =	vld [tilespmem:s14+$0xA8BA]  }
0x139: {  	v55 =	vld [tilespmem:s14+$0x5055]  }
0x13a: {  	v56 =	vld [tilespmem:s14+$0x5065]  }
0x13b: {  	v57 =	vld [tilespmem:s14+$0x6066]  }
0x13c: {  	v58 =	vld [tilespmem:s14+$0x6076];
	v18 =	vadd.s32 v18, v19  }
0x13d: {  	v59 =	vld [tilespmem:s14+$0x7077];
	v48 =	vadd.s32 v20, v21;
	v17 =	vadd.s32 v17, v18  }
0x13e: {  	v60 =	vld [tilespmem:s14+$0x7087];
	v50 =	vadd.s32 v22, v48;
	v16 =	vadd.s32 v16, v17  }
0x13f: {  	v61 =	vld [tilespmem:s14+$0x8088];
	v52 =	vadd.s32 v23, v50;
	v15 =	vadd.s32 v15, v16  }
0x140: {  	v62 =	vld [tilespmem:s14+$0x8098];
	v14 =	vadd.s32 v14, v15;
	v15 =	vadd.s32 v24, v52  }
0x141: {  	v13 =	vadd.s32 v13, v14;
	v14 =	vadd.s32 v25, v15;
	v15 =	vld [tilespmem:s14+$0xB8CB]  }
0x142: {  	v12 =	vadd.s32 v12, v13;
	v13 =	vadd.s32 v47, v14;
	v14 =	vld [tilespmem:s14+$0xC8DC]  }
0x143: {  	v11 =	vadd.s32 v11, v12;
	v12 =	vadd.s32 v49, v13;
	v13 =	vld [tilespmem:s14+$0xD8ED]  }
0x144: {  	v10 =	vadd.s32 v10, v11;
	v11 =	vadd.s32 v51, v12;
	v12 =	vld [tilespmem:s14+$0xE8FE]  }
0x145: {  	v9 =	vadd.s32 v9, v10;
	v10 =	vadd.s32 v53, v11;
	v11 =	vld [tilespmem:s14+$0xF90F]  }
0x146: {  	v8 =	vadd.s32 v8, v9;
	v9 =	vadd.s32 v54, v10;
	v10 =	vld [tilespmem:s14+$0x0]  }
0x147: {  	v7 =	vadd.s32 v7, v8;
	v8 =	vadd.s32 v15, v9;
	v9 =	vld [tilespmem:s14+$0x1011]  }
0x148: {  	v15 =	vld [tilespmem:s14+$0x4054]  }
0x149: {  	v6 =	vadd.s32 v6, v7;
	v7 =	vadd.s32 v14, v8;
	v8 =	vld [tilespmem:s14+$0x10]  }
0x14a: {  	v5 =	vadd.s32 v5, v6;
	v6 =	vadd.s32 v13, v7;
	v7 =	vld [tilespmem:s14+$0x1021]  }
0x14b: {  	v13 =	vld [tilespmem:s14+$0x3043]  }
0x14c: {  	v4 =	vadd.s32 v4, v5;
	v5 =	vadd.s32 v12, v6;
	v6 =	vld [tilespmem:s14+$0x2022]  }
0x14d: {  	v5 =	vadd.s32 v11, v5;
	v11 =	vld [tilespmem:s14+$0x2032]  }
0x14e: {  	v12 =	vld [tilespmem:s14+$0x3033]  }
0x14f: {  	v14 =	vld [tilespmem:s14+$0x4044]  }
0x150: {  	v63 =	vld [tilespmem:s14+$0x9099]  }
0x151: {  	v9 =	vadd.s32 v10, v9;
	v10 =	vld [tilespmem:s14+$0xA0BA];
	v7 =	vadd.s32 v8, v7  }
0x152: {  	v8 =	vld [tilespmem:s14+$0x90A9];
	v6 =	vadd.s32 v6, v9;
	v7 =	vadd.s32 v11, v7  }
0x153: {  	v9 =	vld [tilespmem:s14+$0xA0AA];
	v6 =	vadd.s32 v12, v6;
	v7 =	vadd.s32 v13, v7  }
0x154: {  	v11 =	vld [tilespmem:s14+$0xB0BB];
	v6 =	vadd.s32 v14, v6;
	v7 =	vadd.s32 v15, v7  }
0x155: {  	v12 =	vld [tilespmem:s14+$0xB0CB];
	v6 =	vadd.s32 v55, v6;
	v7 =	vadd.s32 v56, v7  }
0x156: {  	v13 =	vld [tilespmem:s14+$0xC0CC];
	v6 =	vadd.s32 v57, v6;
	v7 =	vadd.s32 v58, v7  }
0x157: {  	v14 =	vld [tilespmem:s14+$0xC0DC];
	v6 =	vadd.s32 v59, v6;
	v7 =	vadd.s32 v60, v7  }
0x158: {  	v15 =	vadd.s32 v61, v6;
	v6 =	vld [tilespmem:s14+$0xD0DD];
	v7 =	vadd.s32 v62, v7  }
0x159: {  	v15 =	vadd.s32 v63, v15;
	v8 =	vadd.s32 v8, v7;
	v7 =	vld [tilespmem:s14+$0xD0ED]  }
0x15a: {  	v3 =	vimm.s32 $0x0;
	v9 =	vadd.s32 v9, v15;
	v10 =	vadd.s32 v10, v8;
	v8 =	vld [tilespmem:s14+$0xE0EE]  }
0x15b: {  	[tilespmem:s14+$0x18180] =	vst v4;
	v3 =	vadd.s32 v3, v4;
	v11 =	vadd.s32 v11, v9;
	v9 =	vld [tilespmem:s14+$0xE0FE];
	v12 =	vadd.s32 v12, v10  }
0x15c: {  	s17 =	simm.s32 $0x80;
	s16 =	simm.s32 $0x0;
	[tilespmem:s14+$0x18190] =	vst v5;
	v3 =	vadd.s32 v5, v3;
	v11 =	vadd.s32 v13, v11;
	v10 =	vld [tilespmem:s14+$0xF0FF];
	v12 =	vadd.s32 v14, v12  }
.LBB2_19:
0x15d: {  	s18 =	sshra.s32 s17, $0x2;
	v6 =	vadd.s32 v6, v11;
	v11 =	vld [tilespmem:s14+$0xF10F]  }
0x15e: {  	v13 =	vld [tilespmem:s18+$0xF8FF];
	v7 =	vadd.s32 v7, v12  }
0x15f: {  	v12 =	vld [tilespmem:s18+$0xE8EE];
	v6 =	vadd.s32 v8, v6  }
0x160: {  	v8 =	vld [tilespmem:s18+$0xD8DD];
	v7 =	vadd.s32 v9, v7  }
0x161: {  	v9 =	vld [tilespmem:s18+$0xC8CC];
	v6 =	vadd.s32 v10, v6  }
0x162: {  	v10 =	vld [tilespmem:s18+$0xB8BB];
	v4 =	vadd.s32 v4, v6;
	v6 =	vadd.s32 v11, v7  }
0x163: {  	v7 =	vld [tilespmem:s18+$0xA8AA];
	[tilespmem:s14+$0x18980] =	vst v4;
	v4 =	vadd.s32 v5, v6  }
0x164: {  	v5 =	vld [tilespmem:s18+$0x9899];
	[tilespmem:s14+$0x18990] =	vst v4;
	s14 =	smov.u32 s18  }
0x165: {  	v4 =	vld [tilespmem:s14+$0x8888]  }
0x166: {  	v6 =	vld [tilespmem:s14+$0x7877]  }
0x167: {  	v11 =	vld [tilespmem:s14+$0x6866]  }
0x168: {  	v14 =	vld [tilespmem:s14+$0x5855]  }
0x169: {  	v15 =	vld [tilespmem:s14+$0x4844]  }
0x16a: {  	s15 =	sadd.s32 $0x20, s15;
	v16 =	vld [tilespmem:s14+$0x3833]  }
0x16b: {  	s18 =	sand.u32 $0x7E0, s15;
	v17 =	vld [tilespmem:s14+$0x2822]  }
0x16c: {  	v18 =	vld [tilespmem:s18+$0x800]  }
0x16d: {  	s16 =	sadd.s32 $0x2, s16;
	v19 =	vld [tilespmem:s14+$0x1811]  }
0x16e: {  	p0 =	slt.u32 s16, $0x7E;
	v20 =	vld [tilespmem:s14+$0x810]  }
0x16f: {  	v21 =	vld [tilespmem:s14+$0x1821]  }
0x170: {  	v22 =	vld [tilespmem:s14+$0x2832]  }
0x171: {  	v23 =	vld [tilespmem:s14+$0x3843]  }
0x172: {  	v24 =	vld [tilespmem:s14+$0x4854]  }
0x173: {  	v18 =	vadd.s32 v18, v19;
	v19 =	vld [tilespmem:s14+$0x5865]  }
0x174: {  	v17 =	vadd.s32 v17, v18;
	v18 =	vadd.s32 v20, v21;
	v20 =	vld [tilespmem:s14+$0x6876]  }
0x175: {  	v16 =	vadd.s32 v16, v17;
	v17 =	vadd.s32 v22, v18;
	v18 =	vld [tilespmem:s14+$0x7887]  }
0x176: {  	v15 =	vadd.s32 v15, v16;
	v16 =	vadd.s32 v23, v17;
	v17 =	vld [tilespmem:s14+$0x8898]  }
0x177: {  	v14 =	vadd.s32 v14, v15;
	v15 =	vadd.s32 v24, v16;
	v16 =	vld [tilespmem:s14+$0x98A9]  }
0x178: {  	v11 =	vadd.s32 v11, v14;
	v14 =	vadd.s32 v19, v15;
	v15 =	vld [tilespmem:s14+$0xA8BA]  }
0x179: {  	v6 =	vadd.s32 v6, v11;
	v11 =	vadd.s32 v20, v14;
	v14 =	vld [tilespmem:s14+$0xB8CB]  }
0x17a: {  	v4 =	vadd.s32 v4, v6;
	v6 =	vadd.s32 v18, v11;
	v11 =	vld [tilespmem:s14+$0xC8DC]  }
0x17b: {  	v4 =	vadd.s32 v5, v4;
	v5 =	vadd.s32 v17, v6;
	v6 =	vld [tilespmem:s14+$0xD8ED]  }
0x17c: {  	v4 =	vadd.s32 v7, v4;
	v5 =	vadd.s32 v16, v5;
	v7 =	vld [tilespmem:s14+$0xE8FE]  }
0x17d: {  	v4 =	vadd.s32 v10, v4;
	v5 =	vadd.s32 v15, v5;
	v10 =	vld [tilespmem:s14+$0xF90F]  }
0x17e: {  	v4 =	vadd.s32 v9, v4;
	v15 =	vld [tilespmem:s14+$0x0];
	v5 =	vadd.s32 v14, v5  }
0x17f: {  	v4 =	vadd.s32 v8, v4;
	v9 =	vld [tilespmem:s14+$0x1011];
	v5 =	vadd.s32 v11, v5  }
0x180: {  	v4 =	vadd.s32 v12, v4;
	v8 =	vld [tilespmem:s14+$0x10];
	v5 =	vadd.s32 v6, v5  }
0x181: {  	v4 =	vadd.s32 v13, v4;
	v6 =	vld [tilespmem:s14+$0x1021];
	v5 =	vadd.s32 v7, v5  }
0x182: {  	v3 =	vadd.s32 v3, v4;
	v7 =	vld [tilespmem:s14+$0x2022];
	[tilespmem:s14+$0x18180] =	vst v4;
	v5 =	vadd.s32 v10, v5  }
0x183: {  	v10 =	vld [tilespmem:s14+$0x2032];
	[tilespmem:s14+$0x18190] =	vst v5;
	v3 =	vadd.s32 v5, v3  }
0x184: {  	v9 =	vadd.s32 v15, v9;
	v11 =	vld [tilespmem:s14+$0x3033]  }
0x185: {  	v12 =	vld [tilespmem:s14+$0x3043]  }
0x186: {  	v13 =	vld [tilespmem:s14+$0x4044];
	v6 =	vadd.s32 v8, v6  }
0x187: {  	v7 =	vadd.s32 v7, v9;
	v8 =	vld [tilespmem:s14+$0x4054]  }
0x188: {  	v9 =	vld [tilespmem:s14+$0x5055];
	v6 =	vadd.s32 v10, v6  }
0x189: {  	v7 =	vadd.s32 v11, v7;
	v10 =	vld [tilespmem:s14+$0x5065]  }
0x18a: {  	v11 =	vld [tilespmem:s14+$0x6066];
	v6 =	vadd.s32 v12, v6  }
0x18b: {  	v7 =	vadd.s32 v13, v7;
	v12 =	vld [tilespmem:s14+$0x6076]  }
0x18c: {  	v13 =	vld [tilespmem:s14+$0x7077];
	v6 =	vadd.s32 v8, v6  }
0x18d: {  	v7 =	vadd.s32 v9, v7;
	v8 =	vld [tilespmem:s14+$0x7087]  }
0x18e: {  	v9 =	vld [tilespmem:s14+$0x8088];
	v6 =	vadd.s32 v10, v6  }
0x18f: {  	v7 =	vadd.s32 v11, v7;
	v10 =	vld [tilespmem:s14+$0x8098]  }
0x190: {  	v11 =	vld [tilespmem:s14+$0x9099];
	v6 =	vadd.s32 v12, v6  }
0x191: {  	v7 =	vadd.s32 v13, v7;
	v12 =	vld [tilespmem:s14+$0x90A9]  }
0x192: {  	v13 =	vld [tilespmem:s14+$0xA0AA];
	v6 =	vadd.s32 v8, v6  }
0x193: {  	v7 =	vadd.s32 v9, v7;
	v8 =	vld [tilespmem:s14+$0xA0BA]  }
0x194: {  	v9 =	vld [tilespmem:s14+$0xB0BB];
	v6 =	vadd.s32 v10, v6  }
0x195: {  	v7 =	vadd.s32 v11, v7;
	v10 =	vld [tilespmem:s14+$0xB0CB]  }
0x196: {  	v11 =	vld [tilespmem:s14+$0xC0CC];
	v12 =	vadd.s32 v12, v6  }
0x197: {  	v7 =	vadd.s32 v13, v7;
	v13 =	vld [tilespmem:s14+$0xC0DC]  }
.Ltmp11:
0x198: {  	v6 =	vld [tilespmem:s14+$0xD0DD];
	v12 =	vadd.s32 v8, v12;
	(pc) =	sbr.rel @p0 .LBB2_19-.Ltmp11, $4  }
0x199: {  	v9 =	vadd.s32 v9, v7;
	v7 =	vld [tilespmem:s14+$0xD0ED]  }
0x19a: {  	v8 =	vld [tilespmem:s14+$0xE0EE];
	v12 =	vadd.s32 v10, v12  }
0x19b: {  	v11 =	vadd.s32 v11, v9;
	v9 =	vld [tilespmem:s14+$0xE0FE]  }
0x19c: {  	s17 =	sadd.s32 $0x80, s17;
	v10 =	vld [tilespmem:s14+$0xF0FF];
	v12 =	vadd.s32 v13, v12  }
0x19d: {  	v13 =	vld [tilespmem:s14+$0xF10F];
	_ =	sdelay $0x1  }
0x19e: {  	v6 =	vadd.s32 v6, v11  }
0x19f: {  	v7 =	vadd.s32 v7, v12;
	v6 =	vadd.s32 v8, v6  }
0x1a0: {  	v7 =	vadd.s32 v9, v7;
	v6 =	vadd.s32 v10, v6  }
0x1a1: {  	v4 =	vadd.s32 v4, v6;
	v6 =	vadd.s32 v13, v7  }
0x1a2: {  	(xrf0) =	vadd.scan.msk.s32 $0xffff, v3;
	[tilespmem:s14+$0x18980] =	vst v4;
	v3 =	vadd.s32 v5, v6  }
0x1a3: {  	s19 =	simm.s32 $0x0;
	[tilespmem:s14+$0x18990] =	vst v3  }
0x1a4: {  	v3 =	vld [tilespmem:s19+$0x18980];
	_ =	sdelay $0x1  }
0x1a5: {  	s20 =	simm.s32 $0x10;
	v4 =	vld [tilespmem:s19+$0x18180]  }
0x1a6: {  	v6 =	vld [tilespmem:s20+$0x18980];
	_ =	sdelay $0x1  }
0x1a7: {  	(xrf0) =	vadd.scan.msk.s32 $0xffff, v3;
	v3 =	vld [tilespmem:s20+$0x18180]  }
0x1a8: {  	v5, _, _ =	vpop (xrf0)  }
0x1a9: {  	(v2sf) =	vpush v5, $0xF;
	(xrf0) =	vadd.scan.msk.s32 $0xffff, v4  }
0x1aa: {  	s21 =	simm.s32 $0x20;
	(xrf0) =	vadd.scan.msk.s32 $0xffff, v6  }
0x1ab: {  	v4 =	vld [tilespmem:s21+$0x18980]  }
0x1ac: {  	(xrf0) =	vadd.scan.msk.s32 $0xffff, v3  }
0x1ad: {  	v5 =	vld [tilespmem:s21+$0x18180];
	v3, _, _ =	vpop (xrf0)  }
0x1ae: {  	(v2sf) =	vpush v3, $0xF  }
0x1af: {  	v6, _, _ =	vpop (xrf0)  }
0x1b0: {  	(xrf0) =	vadd.scan.msk.s32 $0xffff, v4;
	(v2sf) =	vpush v6, $0xF;
	v4, _, _ =	vpop (xrf0)  }
0x1b1: {  	(v2sf) =	vpush v4, $0xF  }
0x1b2: {  	(xrf0) =	vadd.scan.msk.s32 $0xffff, v5;
	v5, _, _ =	vpop (xrf0)  }
0x1b3: {  	(v2sf) =	vpush v5, $0xF;
	_ =	sdelay $0x3  }
0x1b4: {  	s17 =	simm.s32 $0x30;
	v7, _, _ =	vpop (xrf0)  }
0x1b5: {  	s15 =	simm.s32 $0x0;
	v9 =	vld [tilespmem:s17+$0x18980];
	s14 =	spop (v2sf);
	(v2sf) =	vpush v7, $0xF  }
0x1b6: {  	v11 =	vld [tilespmem:s17+$0x18180];
	v3 =	vadd.s32 s15, v3;
	s16 =	scvt.s32.f32 s14  }
0x1b7: {  	s22 =	simm.s32 $0x40;
	v8 =	vcvt.s32.f32 v3  }
0x1b8: {  	v12 =	vld [tilespmem:s22+$0x18980];
	v6 =	vadd.s32 s15, v6;
	v3 =	vmov s16  }
0x1b9: {  	s23 =	simm.s32 $0x50;
	v13 =	vld [tilespmem:s22+$0x18180];
	v6 =	vcvt.s32.f32 v6;
	v8 =	vadd.f32 v8, v3  }
0x1ba: {  	(xrf0) =	vadd.scan.msk.s32 $0xffff, v9;
	v9 =	vld [tilespmem:s23+$0x18980];
	s24 =	spop (v2sf)  }
0x1bb: {  	(xrf0) =	vadd.scan.msk.s32 $0xffff, v11;
	v11 =	vld [tilespmem:s23+$0x18180];
	v8 =	vsub.f32 v8, v6;
	s16 =	sadd.s32 $0x0, s24  }
0x1bc: {  	v10, _, _ =	vpop (xrf0);
	s25 =	spop (v2sf);
	v4 =	vadd.s32 s16, v4  }
0x1bd: {  	(xrf0) =	vadd.scan.msk.s32 $0xffff, v12;
	(v2sf) =	vpush v10, $0xF;
	v8 =	vmax.f32 v8, $1.000000000e+00;
	s15 =	sadd.s32 $0x0, s25;
	s26 =	spop (v2sf);
	v4 =	vcvt.s32.f32 v4  }
0x1be: {  	(xrf0) =	vadd.scan.msk.s32 $0xffff, v13;
	(erf) = vrcp.f32 v8;
	v5 =	vadd.s32 s15, v5;
	s16 =	sadd.s32 s16, s26  }
0x1bf: {  	(xrf0) =	vadd.scan.msk.s32 $0xffff, v9;
	v5 =	vcvt.s32.f32 v5;
	v7 =	vadd.s32 s16, v7;
	v8 =	vadd.f32 v4, v3;
	s28 =	spop (v2sf)  }
0x1c0: {  	v12, _, _ =	vpop (xrf0);
	(xrf0) =	vadd.scan.msk.s32 $0xffff, v11;
	s17 =	sadd.s32 s15, s28  }
0x1c1: {  	v9 =	vsub.f32 v8, v5;
	v8 =	vadd.s32 s17, v10  }
0x1c2: {  	v13 =	vsub.f32 v3, v6;
	(v2sf) =	vpush v12, $0xF;
	v6 =	vcvt.s32.f32 v7;
	v7, _, _ =	vpop (xrf0)  }
0x1c3: {  	v11, _, _ =	vpop (xrf0);
	(v2sf) =	vpush v7, $0xF  }
0x1c4: {  	v15 =	vadd.f32 v6, v3;
	s30 =	spop (v2sf);
	v14 =	vcvt.s32.f32 v8;
	(v2sf) =	vpush v11, $0xF;
	v8, _, _ =	vpop (xrf0)  }
0x1c5: {  	v6 =	vsub.f32 v3, v5;
	s15 =	sadd.s32 s16, s30;
	v5 =	vmax.f32 v9, $1.000000000e+00;
	(v2sf) =	vpush v8, $0xF;
	v9, _, _ =	vpop (xrf0)  }
0x1c6: {  	v18 =	vadd.s32 s15, v12;
	v12, _, _ =	vpop (xrf0);
	(v2sf) =	vpush v9, $0xF  }
0x1c7: {  	s29 =	simm.s32 $0x60;
	(v2sf) =	vpush v12, $0xF  }
0x1c8: {  	v10 =	vld [tilespmem:s29+$0x18980]  }
0x1c9: {  	v16 =	vld [tilespmem:s29+$0x18180];
	(erf) = vrcp.f32 v5  }
0x1ca: {  	v15 =	vsub.f32 v15, v14  }
0x1cb: {  	v17 =	vpop (erf)  }
0x1cc: {  	v17 =	vmul.f32 v17, v13;
	s31 =	spop (v2sf);
	v13 =	vmax.f32 v15, $1.000000000e+00  }
0x1cd: {  	s18 =	simm.s32 $0x70;
	s16 =	sadd.s32 s17, s31;
	v18 =	vcvt.s32.f32 v18;
	(xrf0) =	vadd.scan.msk.s32 $0xffff, v10;
	(erf) = vrcp.f32 v13  }
0x1ce: {  	v4 =	vimm.f32 $0.0e+00;
	v5 =	vsub.f32 v3, v14;
	v14 =	vld [tilespmem:s18+$0x18980];
	v7 =	vadd.s32 s16, v7;
	(xrf0) =	vadd.scan.msk.s32 $0xffff, v16  }
0x1cf: {  	s17 =	simm.s32 $0x200;
	v7 =	vcvt.s32.f32 v7;
	v15 =	vadd.f32 v18, v3;
	v10 =	vsub.f32 $1.000000000e+00, v17;
	v13 =	vld [tilespmem:s18+$0x18180]  }
.LBB2_21:
0x1d0: {  	p0 =	sne.s32 s17, $0x1FC0  }
0x1d1: {  	s18 =	spop (v2sf);
	v16 =	vmov v8;
	v8 =	vmov v12;
	s19 =	smov.u32 s17;
	s17 =	sadd.s32 $0x40, s17  }
.Ltmp12:
0x1d2: {  	v15 =	vsub.f32 v15, v7;
	s15 =	sadd.s32 s15, s18;
	s18 =	spop (v2sf);
	v12 =	vpop (erf);
	v4 =	vadd.f32 v10, v4;
	(pc) =	sbr.rel @p0 .LBB2_21-.Ltmp12, $4  }
0x1d3: {  	s19 =	sshra.s32 s19, $0x2;
	v17 =	vsub.f32 v3, v7;
	(xrf0) =	vadd.scan.msk.s32 $0xffff, v14;
	v10, _, _ =	vpop (xrf0);
	v19 =	vadd.s32 s15, v11;
	s16 =	sadd.s32 s16, s18;
	v20 =	vmul.f32 v12, v6  }
0x1d4: {  	v14 =	vld [tilespmem:s19+$0x18980];
	(xrf0) =	vadd.scan.msk.s32 $0xffff, v13;
	v12, _, _ =	vpop (xrf0);
	(v2sf) =	vpush v10, $0xF;
	v18 =	vcvt.s32.f32 v19;
	v7 =	vmax.f32 v15, $1.000000000e+00  }
0x1d5: {  	v11 =	vmovc v9;
	v15 =	vadd.s32 s16, v16;
	v9 =	vmovc v10;
	v13 =	vld [tilespmem:s19+$0x18180];
	(v2sf) =	vpush v12, $0xF;
	(erf) = vrcp.f32 v7  }
0x1d6: {  	v6 =	vmovc v5;
	v5 =	vmovc v17;
	v7 =	vcvt.s32.f32 v15;
	v10 =	vsub.f32 $1.000000000e+00, v20;
	v15 =	vadd.f32 v18, v3  }
0x1d7: {  	_ =	sdelay $0x1  }
0x1d8: {  	v16, _, _ =	vpop (xrf0)  }
0x1d9: {  	(v2sf) =	vpush v16, $0xF  }
0x1da: {  	v17, _, _ =	vpop (xrf0)  }
0x1db: {  	(v2sf) =	vpush v17, $0xF;
	_ =	sdelay $0x4  }
0x1dc: {  	s17 =	spop (v2sf)  }
0x1dd: {  	s15 =	sadd.s32 s15, s17;
	s22 =	spop (v2sf)  }
0x1de: {  	v11 =	vadd.s32 s15, v11;
	s23 =	spop (v2sf)  }
0x1df: {  	s16 =	sadd.s32 s16, s22;
	(xrf0) =	vadd.scan.msk.s32 $0xffff, v14;
	v11 =	vcvt.s32.f32 v11;
	s15 =	sadd.s32 s15, s23  }
0x1e0: {  	v40 =	vsub.f32 v15, v7;
	v8 =	vadd.s32 s16, v8;
	s24 =	spop (v2sf);
	v9 =	vadd.s32 s15, v9  }
0x1e1: {  	(xrf0) =	vadd.scan.msk.s32 $0xffff, v13;
	v8 =	vcvt.s32.f32 v8;
	s16 =	sadd.s32 s16, s24;
	v11 =	vadd.f32 v11, v3;
	v9 =	vcvt.s32.f32 v9  }
0x1e2: {  	v41 =	vmax.f32 v40, $1.000000000e+00;
	v12 =	vadd.s32 s16, v12;
	s25 =	spop (v2sf)  }
0x1e3: {  	v12 =	vcvt.s32.f32 v12;
	v11 =	vsub.f32 v11, v8;
	v9 =	vadd.f32 v9, v3;
	s15 =	sadd.s32 s15, s25;
	s26 =	spop (v2sf)  }
0x1e4: {  	(erf) = vrcp.f32 v41;
	v42 =	vadd.s32 s15, v16;
	s18 =	spop (v2sf)  }
0x1e5: {  	v43, _, _ =	vpop (xrf0);
	v11 =	vmax.f32 v11, $1.000000000e+00;
	v9 =	vsub.f32 v9, v12;
	s16 =	sadd.s32 s16, s26;
	v44 =	vcvt.s32.f32 v42;
	s15 =	sadd.s32 s15, s18  }
0x1e6: {  	(erf) = vrcp.f32 v11;
	v45 =	vadd.s32 s16, v17;
	s28 =	spop (v2sf);
	v46 =	vadd.s32 s15, v43  }
0x1e7: {  	v47, _, _ =	vpop (xrf0);
	v13 =	vcvt.s32.f32 v45;
	v11 =	vadd.f32 v44, v3;
	s29 =	sadd.s32 s16, s28;
	v15 =	vcvt.s32.f32 v46  }
0x1e8: {  	v9 =	vmax.f32 v9, $1.000000000e+00;
	v48 =	vadd.s32 s29, v47  }
0x1e9: {  	v18 =	vpop (erf);
	v11 =	vsub.f32 v11, v13;
	v17 =	vcvt.s32.f32 v48;
	v15 =	vadd.f32 v15, v3  }
0x1ea: {  	v6 =	vmul.f32 v18, v6;
	(erf) = vrcp.f32 v9  }
0x1eb: {  	v49 =	vmax.f32 v11, $1.000000000e+00;
	v50 =	vsub.f32 v15, v17  }
0x1ec: {  	v4 =	vadd.f32 v10, v4;
	v6 =	vsub.f32 $1.000000000e+00, v6;
	v51 =	vpop (erf);
	(erf) = vrcp.f32 v49  }
0x1ed: {  	v52 =	vsub.f32 v3, v7;
	v5 =	vmul.f32 v51, v5;
	v53 =	vmax.f32 v50, $1.000000000e+00  }
0x1ee: {  	v4 =	vadd.f32 v6, v4;
	v54 =	vpop (erf);
	(erf) = vrcp.f32 v53  }
0x1ef: {  	v8 =	vsub.f32 v3, v8;
	v5 =	vsub.f32 $1.000000000e+00, v5;
	v6 =	vmul.f32 v54, v52  }
0x1f0: {  	v55 =	vpop (erf)  }
0x1f1: {  	v4 =	vadd.f32 v5, v4;
	v56 =	vsub.f32 $1.000000000e+00, v6;
	v57 =	vmul.f32 v55, v8  }
0x1f2: {  	v58 =	vsub.f32 v3, v12  }
0x1f3: {  	v4 =	vadd.f32 v56, v4;
	v59 =	vpop (erf);
	v60 =	vsub.f32 $1.000000000e+00, v57  }
0x1f4: {  	v61 =	vsub.f32 v3, v13;
	v7 =	vmul.f32 v59, v58  }
0x1f5: {  	v4 =	vadd.f32 v60, v4;
	v62 =	vpop (erf)  }
0x1f6: {  	v3 =	vsub.f32 v3, v17;
	v7 =	vsub.f32 $1.000000000e+00, v7;
	v5 =	vmul.f32 v62, v61  }
0x1f7: {  	v63 =	vpop (erf)  }
0x1f8: {  	v4 =	vadd.f32 v7, v4;
	v5 =	vsub.f32 $1.000000000e+00, v5;
	v3 =	vmul.f32 v63, v3;
	_ =	sdelay $0x1  }
0x1f9: {  	v4 =	vadd.f32 v5, v4;
	v3 =	vsub.f32 $1.000000000e+00, v3;
	_ =	sdelay $0x1  }
0x1fa: {  	v3 =	vadd.f32 v3, v4;
	_ =	sdelay $0x1  }
0x1fb: {  	(xrf2) =	vadd.scan.msk.f32 $0xffff, v3;
	_ =	sdelay $0x8  }
0x1fc: {  	(v2sf) =	vpush v43, $0xF  }
0x1fd: {  	(v2sf) =	vpush v47, $0xF;
	v3, _, _ =	vpop (xrf2)  }
0x1fe: {  	(v2sf) =	vpush v3, $0xF;
	_ =	sdelay $0xc  }
0x1ff: {  	s30 =	spop (v2sf)  }
0x200: {  	s31 =	spop (v2sf)  }
0x201: {  	s15 =	spop (v2sf)  }
0x202: {  	s15 =	sadd.f32 $-5.000000000e-01, s15;
	_ =	sdelay $0x1  }
0x203: {  	p0 =	sgt.s32 s14, $0x0;
	s14 =	simm.f32 $1.000000000e+00;
	s15 =	smul.f32 $4.882812500e-04, s15  }
0x204: {  	s14 =	simm.s32 @!p0 $0x0  }
0x205: {  	s15 =	smul.f32 s14, s15;
	_ =	sdelay $0x1  }
0x206: {  	v3 =	vmov s15  }
0x207: {  	s13 =	sadd.s32 $0x1, s13;
	v3 =	vnsel vm0, $0x0, v3  }
0x208: {  	p0 =	sne.s32 s13, s8;
	v3 =	vsel vm1, s14, v3  }
.Ltmp13:
0x209: {  	[tilespmem:$0x19180] =	vst v3;
	(pc) =	sbr.rel @p0 .LBB2_2-.Ltmp13, $4  }
0x20a: {  	[hbm4b:s6+s2] =	stream.linear.scatter [tilespmem:s11], [sflag:$0x3], $0x80, $0x38;
	[tilespmem:$0x19200] =	vst v63  }
0x20b: {  	_ =	swait.ge [sflag:s12], $0x80  }
0x20c: {  	[sflag:s12] =	ssyncset.done $0x0  }
0x20d: {  	[sflag:s12] =	ssyncadd.s32 $0xFFFFFF80  }
.LBB2_23:
0x20e: {  	_ =	sfence.sel $0x180000  }
0x20f: {  	[bflag:$0x0] =	sbarrier.arrive $0xFFFF  }
0x210: {  	p0 =	sne.s32 s0, $0x0;
	_ =	strace $0x90000047  }
0x211: {  	s0 =	sadd.s32 @!p0 $0x100000, s1;
	[bflag:$0x2] =	sbarrier.arrive $0xFFFF  }
0x212: {  	[sflag:s0] =	ssyncadd.tile.s32 @!p0 $0x1;
	_ =	shalt  }
.Lfunc_end2:
_tile_overlayer_lowered:
.L_overlay_start_2:
0x213: {  	(tag) =	ssettag $0x2  }
0x214: {  	s0 =	rddreg [dreg:$0x0];
	s2 =	stileid.u32  }
0x215: {  	s1 =	rddreg [dreg:$0x1];
	p0 =	sne.s32 s2, $0x0  }
0x216: {  	s3 =	rddreg [dreg:$0x2];
	[bflag:$0x3] =	sbarrier.arrive $0xFFFF;
	s2 =	simm.s32 @!p0 $0x1C03  }
0x217: {  	[timem:s3], [sflag:s2] =	dma.local @!p0 [hbm:s0], s1  }
0x218: {  	s0 =	simm.s32 @!p0 $0x3  }
0x219: {  	_ =	swait.ge @!p0 [sflag:s0], s1  }
0x21a: {  	s1 =	ssub.s32 @!p0 $0x0, s1;
	[sflag:s0] =	ssyncset.done @!p0 $0x0  }
0x21b: {  	[sflag:s0] =	ssyncadd.s32 @!p0 s1  }
0x21c: {  	[bflag:$0x3] =	sbarrier.arrive $0xFFFF  }
0x21d: {  	_ =	shalt  }

</sc_bundles>
